<compile_context>
chip_gen: v7x
topology: tpu7x:2x2x1
jax: 0.10.2.dev20260603
libtpu: 0.0.44.dev20260713+nightly
codegen_flags: <defaults>
</compile_context>

<pallas_src>
import functools

import jax
import jax.numpy as jnp
from jax import lax
from jax.experimental import pallas as pl
from jax.experimental.pallas import tpu as pltpu
from jax.experimental.pallas import tpu_sc as plsc

_N = 10000
_E = 320000
_D = 128
_G = 16

_NC = 2
_NS = 16
_NW = _NC * _NS
_EPW = _E // _NW
_CHUNK = 80
_NCHUNK = _EPW // _CHUNK
_RPS = 624
_TAIL0 = _RPS * _NS
_TAILN = _N - _TAIL0

_B = 2000
_NB = _N // _B


def _sc_agg_body(node_hbm, edge_hbm, out_hbm,
                 ix0, ix1, ix2, ix3, buf0, buf1, buf2, buf3, agg_sh,
                 si0, si1, si2, si3, sg0, sg1, sg2, sg3,
                 ss0, ss1, ss2, ss3, sm):
    c = lax.axis_index("c")
    s = lax.axis_index("s")
    wid = c * _NS + s
    r0 = s * _RPS

    ixs = (ix0, ix1, ix2, ix3)
    bufs = (buf0, buf1, buf2, buf3)
    sis = (si0, si1, si2, si3)
    sgs = (sg0, sg1, sg2, sg3)
    sss = (ss0, ss1, ss2, ss3)

    def fire_idx(m, k):
        off = wid * _EPW + m * _CHUNK
        pltpu.async_copy(edge_hbm.at[pl.ds(off, _CHUNK)],
                         ixs[k].at[0], sis[k])
        pltpu.async_copy(edge_hbm.at[pl.ds(_E + off, _CHUNK)],
                         ixs[k].at[1], sis[k])

    def wait_idx(k):
        pltpu.make_async_copy(edge_hbm.at[pl.ds(0, _CHUNK)],
                              ixs[k].at[0], sis[k]).wait()
        pltpu.make_async_copy(edge_hbm.at[pl.ds(0, _CHUNK)],
                              ixs[k].at[1], sis[k]).wait()

    def fire_gather(k):
        pltpu.async_copy(node_hbm.at[ixs[k].at[0]], bufs[k], sgs[k])

    def wait_gather(k):
        pltpu.make_async_copy(node_hbm.at[ixs[k].at[0]], bufs[k], sgs[k]).wait()

    pltpu.async_copy(node_hbm.at[pl.ds(r0, _RPS)],
                     agg_sh.at[pl.ds(r0, _RPS)], sm).wait()

    @pl.when(s == 0)
    def _():
        pltpu.async_copy(node_hbm.at[pl.ds(_TAIL0, _TAILN)],
                         agg_sh.at[pl.ds(_TAIL0, _TAILN)], sm).wait()

    plsc.subcore_barrier()

    for k in range(4):
        fire_idx(k, k)
    for k in range(2):
        wait_idx(k)
        fire_gather(k)

    def quad(i, carry):
        j = 4 * i
        for k in range(4):
            m = j + k

            @pl.when(m + 2 < _NCHUNK)
            def _():
                wait_idx((k + 2) % 4)
                fire_gather((k + 2) % 4)

            wait_gather(k)
            pltpu.async_copy(bufs[k], agg_sh.at[ixs[k].at[1]], sss[k],
                             add=True).wait()

            @pl.when(m + 4 < _NCHUNK)
            def _():
                fire_idx(m + 4, k)

        return carry

    lax.fori_loop(0, (_NCHUNK - 1) // 4, quad, 0)
    wait_gather(0)
    pltpu.async_copy(bufs[0], agg_sh.at[ixs[0].at[1]], sss[0], add=True).wait()

    plsc.subcore_barrier()
    pltpu.async_copy(agg_sh.at[pl.ds(r0, _RPS)],
                     out_hbm.at[c, pl.ds(r0, _RPS)], sm).wait()

    @pl.when(s == 0)
    def _():
        pltpu.async_copy(agg_sh.at[pl.ds(_TAIL0, _TAILN)],
                         out_hbm.at[c, pl.ds(_TAIL0, _TAILN)], sm).wait()


@functools.cache
def _sc_agg():
    return pl.kernel(
        _sc_agg_body,
        out_type=jax.ShapeDtypeStruct((_NC, _N, _D), jnp.float32),
        mesh=plsc.VectorSubcoreMesh(core_axis_name="c", subcore_axis_name="s"),
        scratch_types=(
            [pltpu.VMEM((2, _CHUNK), jnp.int32)] * 4
            + [pltpu.VMEM((_CHUNK, _D), jnp.float32)] * 4
            + [pltpu.VMEM_SHARED((_N, _D), jnp.float32)]
            + [pltpu.SemaphoreType.DMA] * 13
        ),
    )


def _ln(x, g, b):
    m = jnp.mean(x, axis=-1, keepdims=True)
    xc = x - m
    v = jnp.mean(xc * xc, axis=-1, keepdims=True)
    return xc * lax.rsqrt(v + 1e-5) * g + b


def _tc_body(node_ref, p_ref, bp_ref, em1_ref,
             w1_ref, b1_ref, g1_ref, be1_ref,
             w2_ref, b2_ref, g2_ref, be2_ref,
             w3_ref, b3_ref, nw_ref, nb_ref, out_ref,
             h3_scr, stats_scr):
    p = pl.program_id(0)
    i = pl.program_id(1)
    onehot = (bp_ref[...] == lax.broadcasted_iota(
        jnp.int32, (_B, _G), 1)).astype(jnp.float32)

    @pl.when(p == 0)
    def _():
        h = em1_ref[0, 0] * node_ref[...] + p_ref[0] + p_ref[1]
        h = jnp.maximum(_ln(jnp.dot(h, w1_ref[...],
                                    preferred_element_type=jnp.float32)
                            + b1_ref[...], g1_ref[...], be1_ref[...]), 0.0)
        h = jnp.maximum(_ln(jnp.dot(h, w2_ref[...],
                                    preferred_element_type=jnp.float32)
                            + b2_ref[...], g2_ref[...], be2_ref[...]), 0.0)
        h = jnp.dot(h, w3_ref[...], preferred_element_type=jnp.float32) \
            + b3_ref[...]
        h3_scr[pl.ds(i * _B, _B), :] = h
        rs = jnp.sum(h, axis=1, keepdims=True)
        rs2 = jnp.sum(h * h, axis=1, keepdims=True)
        part = jnp.concatenate(
            [jnp.sum(onehot * rs, axis=0)[:, None],
             jnp.sum(onehot * rs2, axis=0)[:, None],
             jnp.sum(onehot, axis=0)[:, None],
             jnp.zeros((_G, _D - 3), jnp.float32)], axis=1)

        @pl.when(i == 0)
        def _():
            stats_scr[...] = part

        @pl.when(i > 0)
        def _():
            stats_scr[...] += part

    @pl.when(p == 1)
    def _():
        stats = stats_scr[...]
        cnt = jnp.maximum(stats[:, 2] * jnp.float32(_D), 1.0)
        mean = stats[:, 0] / cnt
        var = jnp.maximum(stats[:, 1] / cnt - mean * mean, 0.0)
        inv = lax.rsqrt(var + 1e-5)
        mean_n = jnp.sum(onehot * mean[None, :], axis=1, keepdims=True)
        inv_n = jnp.sum(onehot * inv[None, :], axis=1, keepdims=True)
        h = h3_scr[pl.ds(i * _B, _B), :]
        out = (h - mean_n) * inv_n * nw_ref[...] + nb_ref[...]
        out_ref[...] = jnp.maximum(out, 0.0)


def _full(shape):
    return pl.BlockSpec(shape, lambda p, i: tuple(0 for _ in shape))


def kernel(node, edge_index, edge_attr, batch_ptr, eps,
           W1, b1, g1, be1, W2, b2, g2, be2, W3, b3, nw, nb):
    del edge_attr
    partials = _sc_agg()(node, edge_index.reshape(2 * _E))

    bp2 = batch_ptr.reshape(_N, 1)
    em1 = (eps - 1.0).reshape(1, 1)

    out = pl.pallas_call(
        _tc_body,
        grid=(2, _NB),
        in_specs=[
            pl.BlockSpec((_B, _D), lambda p, i: (i, 0)),
            pl.BlockSpec((_NC, _B, _D), lambda p, i: (0, i, 0)),
            pl.BlockSpec((_B, 1), lambda p, i: (i, 0)),
            pl.BlockSpec(memory_space=pltpu.SMEM),
            _full((_D, _D)), _full((1, _D)), _full((1, _D)), _full((1, _D)),
            _full((_D, _D)), _full((1, _D)), _full((1, _D)), _full((1, _D)),
            _full((_D, _D)), _full((1, _D)), _full((1, _D)), _full((1, _D)),
        ],
        out_specs=pl.BlockSpec((_B, _D), lambda p, i: (i, 0)),
        out_shape=jax.ShapeDtypeStruct((_N, _D), jnp.float32),
        scratch_shapes=[
            pltpu.VMEM((_N, _D), jnp.float32),
            pltpu.VMEM((_G, _D), jnp.float32),
        ],
    )(node, partials, bp2, em1,
      W1, b1.reshape(1, _D), g1.reshape(1, _D), be1.reshape(1, _D),
      W2, b2.reshape(1, _D), g2.reshape(1, _D), be2.reshape(1, _D),
      W3, b3.reshape(1, _D), nw.reshape(1, _D), nb.reshape(1, _D))
    return out

# --- scband reference (transcript-rebuilt; emitter-appended) ---
"""Pipeline reference for scband-gin-layer-72688026518105 (READ-ONLY COPY).

The authoritative reference and input builder live on the scoring server;
editing this copy changes nothing except your own understanding.
"""

import jax, jax.numpy as jnp
import numpy as np

N = 10000
E = 320000
D = 128
G = 16


def setup_inputs(seed: int = 0) -> dict:
    key = jax.random.key(seed)
    ks = jax.random.split(key, 12)
    s = 1.0 / np.sqrt(D)
    inp = {
        "node": jax.random.normal(ks[0], (N, D), jnp.float32),
        "edge_index": jax.random.randint(ks[1], (2, E), 0, N, jnp.int32),
        "edge_attr": jax.random.normal(ks[2], (E, 16), jnp.float32),
        "batch_ptr": jnp.sort(jax.random.randint(ks[3], (N,), 0, G, jnp.int32)),
        # GINConv trainable eps (train_eps=True, init 0)
        "eps": jnp.zeros((), jnp.float32),
        # MLP(128 -> 128 -> 128 -> 128), num_layers=3, LayerNorm+ReLU after hidden layers
        "W1": jax.random.normal(ks[4], (D, D), jnp.float32) * s,
        "b1": jnp.zeros((D,), jnp.float32),
        "g1": jnp.ones((D,), jnp.float32),
        "be1": jnp.zeros((D,), jnp.float32),
        "W2": jax.random.normal(ks[5], (D, D), jnp.float32) * s,
        "b2": jnp.zeros((D,), jnp.float32),
        "g2": jnp.ones((D,), jnp.float32),
        "be2": jnp.zeros((D,), jnp.float32),
        "W3": jax.random.normal(ks[6], (D, D), jnp.float32) * s,
        "b3": jnp.zeros((D,), jnp.float32),
        # outer PyG graph-mode LayerNorm affine params
        "nw": jnp.ones((D,), jnp.float32),
        "nb": jnp.zeros((D,), jnp.float32),
    }
    return inp


def _layernorm(x, g, b, eps=1e-5):
    m = x.mean(-1, keepdims=True)
    v = ((x - m) ** 2).mean(-1, keepdims=True)
    return (x - m) / jnp.sqrt(v + eps) * g + b


def reference(node, edge_index, edge_attr, batch_ptr, eps, W1, b1, g1, be1, W2, b2, g2, be2, W3, b3, nw, nb):
    src = edge_index[0]
    dst = edge_index[1]
    # GINConv: sum-aggregate neighbor features at dst
    agg = jnp.zeros((N, D), node.dtype).at[dst].add(node[src])
    h = (1.0 + eps) * node + agg
    # 3-layer MLP with LayerNorm + ReLU on hidden layers (plain last layer)
    h = jax.nn.relu(_layernorm(h @ W1 + b1, g1, be1))
    h = jax.nn.relu(_layernorm(h @ W2 + b2, g2, be2))
    h = h @ W3 + b3
    # PyG LayerNorm (mode='graph'): normalize per graph over all nodes and features
    cnt = jax.ops.segment_sum(jnp.ones((N,), h.dtype), batch_ptr, num_segments=G) * D
    cnt = jnp.maximum(cnt, 1.0)
    mean = jax.ops.segment_sum(h.sum(-1), batch_ptr, num_segments=G) / cnt
    hc = h - mean[batch_ptr][:, None]
    var = jax.ops.segment_sum((hc * hc).sum(-1), batch_ptr, num_segments=G) / cnt
    out = hc / jnp.sqrt(var + 1e-5)[batch_ptr][:, None] * nw + nb
    # final ReLU (skip_connection=False)
    return jax.nn.relu(out)

if __name__ == "__main__":
    import jax
    _d = setup_inputs()
    print(jax.jit(kernel)(*tuple(_d.values())))

</pallas_src>

<mosaic_0001>
#map = affine_map<(d0, d1) -> (0, 0)>
#map1 = affine_map<(d0, d1) -> (0)>
#map2 = affine_map<(d0, d1) -> (0, 0, 0)>
module attributes {stable_mosaic.version = 14 : i64} {
  func.func @_sc_agg_body(%arg0: i32, %arg1: i32, %arg2: memref<10000x128xf32, #tpu.memory_space<hbm>>, %arg3: memref<640000xi32, #tpu.memory_space<hbm>>, %arg4: memref<2x10000x128xf32, #tpu.memory_space<hbm>>, %arg5: memref<2x80xi32, #tpu.memory_space<vmem>>, %arg6: memref<2x80xi32, #tpu.memory_space<vmem>>, %arg7: memref<2x80xi32, #tpu.memory_space<vmem>>, %arg8: memref<2x80xi32, #tpu.memory_space<vmem>>, %arg9: memref<80x128xf32, #tpu.memory_space<vmem>>, %arg10: memref<80x128xf32, #tpu.memory_space<vmem>>, %arg11: memref<80x128xf32, #tpu.memory_space<vmem>>, %arg12: memref<80x128xf32, #tpu.memory_space<vmem>>, %arg13: memref<10000x128xf32, #tpu.memory_space<vmem_shared>>, %arg14: memref<!tpu.dma_semaphore, #tpu.memory_space<semaphore_mem>>, %arg15: memref<!tpu.dma_semaphore, #tpu.memory_space<semaphore_mem>>, %arg16: memref<!tpu.dma_semaphore, #tpu.memory_space<semaphore_mem>>, %arg17: memref<!tpu.dma_semaphore, #tpu.memory_space<semaphore_mem>>, %arg18: memref<!tpu.dma_semaphore, #tpu.memory_space<semaphore_mem>>, %arg19: memref<!tpu.dma_semaphore, #tpu.memory_space<semaphore_mem>>, %arg20: memref<!tpu.dma_semaphore, #tpu.memory_space<semaphore_mem>>, %arg21: memref<!tpu.dma_semaphore, #tpu.memory_space<semaphore_mem>>, %arg22: memref<!tpu.dma_semaphore, #tpu.memory_space<semaphore_mem>>, %arg23: memref<!tpu.dma_semaphore, #tpu.memory_space<semaphore_mem>>, %arg24: memref<!tpu.dma_semaphore, #tpu.memory_space<semaphore_mem>>, %arg25: memref<!tpu.dma_semaphore, #tpu.memory_space<semaphore_mem>>, %arg26: memref<!tpu.dma_semaphore, #tpu.memory_space<semaphore_mem>>) attributes {dimension_semantics = [#tpu.dimension_semantics<core_parallel>, #tpu.dimension_semantics<subcore_parallel>], iteration_bounds = array<i64: 2, 16>, scalar_prefetch = 0 : i64, scratch_operands = 22 : i64, tpu.core_type = #tpu.core_type<sc_vector_subcore>, window_params = [{transform_indices = #map}, {transform_indices = #map1}, {transform_indices = #map2}]} {
    %mul3A = arith.constant 16 : i32
    %mul3A_0 = arith.muli %arg0, %mul3A : i32
    %add3A = arith.addi %mul3A_0, %arg1 : i32
    %mul3A_1 = arith.constant 624 : i32
    %mul3A_2 = arith.muli %arg1, %mul3A_1 : i32
    %dma_start3A = arith.constant 0 : i32
    %dma_start3A_3 = tpu.memref_slice %arg13[%mul3A_2, %dma_start3A] : memref<10000x128xf32, #tpu.memory_space<vmem_shared>> -> memref<624x128xf32, #tpu.memory_space<vmem_shared>>
    %dma_start3A_4 = arith.constant 0 : i32
    %dma_start3A_5 = tpu.memref_slice %arg2[%mul3A_2, %dma_start3A_4] : memref<10000x128xf32, #tpu.memory_space<hbm>> -> memref<624x128xf32, #tpu.memory_space<hbm>>
    tpu.enqueue_dma source(%dma_start3A_5 : memref<624x128xf32, #tpu.memory_space<hbm>>) target(%dma_start3A_3 : memref<624x128xf32, #tpu.memory_space<vmem_shared>>) target_semaphore(%arg26 : memref<!tpu.dma_semaphore, #tpu.memory_space<semaphore_mem>>)
    %dma_wait3A = arith.constant 0 : i32
    %dma_wait3A_6 = tpu.memref_slice %arg13[%mul3A_2, %dma_wait3A] : memref<10000x128xf32, #tpu.memory_space<vmem_shared>> -> memref<624x128xf32, #tpu.memory_space<vmem_shared>>
    %dma_wait3A_7 = arith.constant 0 : i32
    %dma_wait3A_8 = tpu.memref_slice %arg2[%mul3A_2, %dma_wait3A_7] : memref<10000x128xf32, #tpu.memory_space<hbm>> -> memref<624x128xf32, #tpu.memory_space<hbm>>
    tpu.wait_dma2 semaphore(%arg26 : memref<!tpu.dma_semaphore, #tpu.memory_space<semaphore_mem>>) src(%dma_wait3A_8 : memref<624x128xf32, #tpu.memory_space<hbm>>) dst(%dma_wait3A_6 : memref<624x128xf32, #tpu.memory_space<vmem_shared>>)
    %eq3A = arith.constant 0 : i32
    %eq3A_9 = arith.cmpi eq, %arg1, %eq3A : i32
    %convert_element_type3A = arith.extui %eq3A_9 : i1 to i32
    %cond3A = arith.constant 0 : i32
    %cond3A_10 = arith.cmpi ne, %convert_element_type3A, %cond3A : i32
    scf.if %cond3A_10 {
      %dma_start3A_207 = arith.constant 9984 : i32
      %dma_start3A_208 = arith.constant 0 : i32
      %dma_start3A_209 = tpu.memref_slice %arg13[%dma_start3A_207, %dma_start3A_208] : memref<10000x128xf32, #tpu.memory_space<vmem_shared>> -> memref<16x128xf32, #tpu.memory_space<vmem_shared>>
      %dma_start3A_210 = arith.constant 9984 : i32
      %dma_start3A_211 = arith.constant 0 : i32
      %dma_start3A_212 = tpu.memref_slice %arg2[%dma_start3A_210, %dma_start3A_211] : memref<10000x128xf32, #tpu.memory_space<hbm>> -> memref<16x128xf32, #tpu.memory_space<hbm>>
      tpu.enqueue_dma source(%dma_start3A_212 : memref<16x128xf32, #tpu.memory_space<hbm>>) target(%dma_start3A_209 : memref<16x128xf32, #tpu.memory_space<vmem_shared>>) target_semaphore(%arg26 : memref<!tpu.dma_semaphore, #tpu.memory_space<semaphore_mem>>)
      %dma_wait3A_213 = arith.constant 9984 : i32
      %dma_wait3A_214 = arith.constant 0 : i32
      %dma_wait3A_215 = tpu.memref_slice %arg13[%dma_wait3A_213, %dma_wait3A_214] : memref<10000x128xf32, #tpu.memory_space<vmem_shared>> -> memref<16x128xf32, #tpu.memory_space<vmem_shared>>
      %dma_wait3A_216 = arith.constant 9984 : i32
      %dma_wait3A_217 = arith.constant 0 : i32
      %dma_wait3A_218 = tpu.memref_slice %arg2[%dma_wait3A_216, %dma_wait3A_217] : memref<10000x128xf32, #tpu.memory_space<hbm>> -> memref<16x128xf32, #tpu.memory_space<hbm>>
      tpu.wait_dma2 semaphore(%arg26 : memref<!tpu.dma_semaphore, #tpu.memory_space<semaphore_mem>>) src(%dma_wait3A_218 : memref<16x128xf32, #tpu.memory_space<hbm>>) dst(%dma_wait3A_215 : memref<16x128xf32, #tpu.memory_space<vmem_shared>>)
    } else {
    }
    %barrier3A = arith.constant 0 : index
    tpu.barrier barrier_id(%barrier3A)
    %mul3A_11 = arith.constant 10000 : i32
    %mul3A_12 = arith.muli %add3A, %mul3A_11 : i32
    %add3A_13 = arith.constant 0 : i32
    %add3A_14 = arith.addi %mul3A_12, %add3A_13 : i32
    %dma_start3A_15 = arith.constant 0 : i32
    %dma_start3A_16 = arith.constant 0 : i32
    %dma_start3A_17 = tpu.memref_slice %arg5[%dma_start3A_15, %dma_start3A_16] : memref<2x80xi32, #tpu.memory_space<vmem>> -> memref<1x80xi32, #tpu.memory_space<vmem>>
    %dma_start3A_18 = tpu.memref_squeeze %dma_start3A_17 : memref<1x80xi32, #tpu.memory_space<vmem>> -> memref<80xi32, #tpu.memory_space<vmem>>
    %dma_start3A_19 = tpu.memref_slice %arg3[%add3A_14] : memref<640000xi32, #tpu.memory_space<hbm>> -> memref<80xi32, #tpu.memory_space<hbm>>
    %dma_start3A_20 = arith.constant 0 : i32
    %dma_start3A_21 = tpu.memref_slice %arg5[%dma_start3A_15, %dma_start3A_20] : memref<2x80xi32, #tpu.memory_space<vmem>> -> memref<1x80xi32, #tpu.memory_space<vmem>>
    %dma_start3A_22 = tpu.memref_squeeze %dma_start3A_21 : memref<1x80xi32, #tpu.memory_space<vmem>> -> memref<80xi32, #tpu.memory_space<vmem>>
    %dma_start3A_23 = tpu.memref_slice %arg3[%add3A_14] : memref<640000xi32, #tpu.memory_space<hbm>> -> memref<80xi32, #tpu.memory_space<hbm>>
    tpu.enqueue_dma source(%dma_start3A_23 : memref<80xi32, #tpu.memory_space<hbm>>) target(%dma_start3A_22 : memref<80xi32, #tpu.memory_space<vmem>>) target_semaphore(%arg14 : memref<!tpu.dma_semaphore, #tpu.memory_space<semaphore_mem>>)
    %add3A_24 = arith.constant 320000 : i32
    %add3A_25 = arith.addi %add3A_24, %add3A_14 : i32
    %dma_start3A_26 = arith.constant 1 : i32
    %dma_start3A_27 = arith.constant 0 : i32
    %dma_start3A_28 = tpu.memref_slice %arg5[%dma_start3A_26, %dma_start3A_27] : memref<2x80xi32, #tpu.memory_space<vmem>> -> memref<1x80xi32, #tpu.memory_space<vmem>>
    %dma_start3A_29 = tpu.memref_squeeze %dma_start3A_28 : memref<1x80xi32, #tpu.memory_space<vmem>> -> memref<80xi32, #tpu.memory_space<vmem>>
    %dma_start3A_30 = tpu.memref_slice %arg3[%add3A_25] : memref<640000xi32, #tpu.memory_space<hbm>> -> memref<80xi32, #tpu.memory_space<hbm>>
    %dma_start3A_31 = arith.constant 0 : i32
    %dma_start3A_32 = tpu.memref_slice %arg5[%dma_start3A_26, %dma_start3A_31] : memref<2x80xi32, #tpu.memory_space<vmem>> -> memref<1x80xi32, #tpu.memory_space<vmem>>
    %dma_start3A_33 = tpu.memref_squeeze %dma_start3A_32 : memref<1x80xi32, #tpu.memory_space<vmem>> -> memref<80xi32, #tpu.memory_space<vmem>>
    %dma_start3A_34 = tpu.memref_slice %arg3[%add3A_25] : memref<640000xi32, #tpu.memory_space<hbm>> -> memref<80xi32, #tpu.memory_space<hbm>>
    tpu.enqueue_dma source(%dma_start3A_34 : memref<80xi32, #tpu.memory_space<hbm>>) target(%dma_start3A_33 : memref<80xi32, #tpu.memory_space<vmem>>) target_semaphore(%arg14 : memref<!tpu.dma_semaphore, #tpu.memory_space<semaphore_mem>>)
    %mul3A_35 = arith.constant 10000 : i32
    %mul3A_36 = arith.muli %add3A, %mul3A_35 : i32
    %add3A_37 = arith.constant 80 : i32
    %add3A_38 = arith.addi %mul3A_36, %add3A_37 : i32
    %dma_start3A_39 = arith.constant 0 : i32
    %dma_start3A_40 = arith.constant 0 : i32
    %dma_start3A_41 = tpu.memref_slice %arg6[%dma_start3A_39, %dma_start3A_40] : memref<2x80xi32, #tpu.memory_space<vmem>> -> memref<1x80xi32, #tpu.memory_space<vmem>>
    %dma_start3A_42 = tpu.memref_squeeze %dma_start3A_41 : memref<1x80xi32, #tpu.memory_space<vmem>> -> memref<80xi32, #tpu.memory_space<vmem>>
    %dma_start3A_43 = tpu.memref_slice %arg3[%add3A_38] : memref<640000xi32, #tpu.memory_space<hbm>> -> memref<80xi32, #tpu.memory_space<hbm>>
    %dma_start3A_44 = arith.constant 0 : i32
    %dma_start3A_45 = tpu.memref_slice %arg6[%dma_start3A_39, %dma_start3A_44] : memref<2x80xi32, #tpu.memory_space<vmem>> -> memref<1x80xi32, #tpu.memory_space<vmem>>
    %dma_start3A_46 = tpu.memref_squeeze %dma_start3A_45 : memref<1x80xi32, #tpu.memory_space<vmem>> -> memref<80xi32, #tpu.memory_space<vmem>>
    %dma_start3A_47 = tpu.memref_slice %arg3[%add3A_38] : memref<640000xi32, #tpu.memory_space<hbm>> -> memref<80xi32, #tpu.memory_space<hbm>>
    tpu.enqueue_dma source(%dma_start3A_47 : memref<80xi32, #tpu.memory_space<hbm>>) target(%dma_start3A_46 : memref<80xi32, #tpu.memory_space<vmem>>) target_semaphore(%arg15 : memref<!tpu.dma_semaphore, #tpu.memory_space<semaphore_mem>>)
    %add3A_48 = arith.constant 320000 : i32
    %add3A_49 = arith.addi %add3A_48, %add3A_38 : i32
    %dma_start3A_50 = arith.constant 1 : i32
    %dma_start3A_51 = arith.constant 0 : i32
    %dma_start3A_52 = tpu.memref_slice %arg6[%dma_start3A_50, %dma_start3A_51] : memref<2x80xi32, #tpu.memory_space<vmem>> -> memref<1x80xi32, #tpu.memory_space<vmem>>
    %dma_start3A_53 = tpu.memref_squeeze %dma_start3A_52 : memref<1x80xi32, #tpu.memory_space<vmem>> -> memref<80xi32, #tpu.memory_space<vmem>>
    %dma_start3A_54 = tpu.memref_slice %arg3[%add3A_49] : memref<640000xi32, #tpu.memory_space<hbm>> -> memref<80xi32, #tpu.memory_space<hbm>>
    %dma_start3A_55 = arith.constant 0 : i32
    %dma_start3A_56 = tpu.memref_slice %arg6[%dma_start3A_50, %dma_start3A_55] : memref<2x80xi32, #tpu.memory_space<vmem>> -> memref<1x80xi32, #tpu.memory_space<vmem>>
    %dma_start3A_57 = tpu.memref_squeeze %dma_start3A_56 : memref<1x80xi32, #tpu.memory_space<vmem>> -> memref<80xi32, #tpu.memory_space<vmem>>
    %dma_start3A_58 = tpu.memref_slice %arg3[%add3A_49] : memref<640000xi32, #tpu.memory_space<hbm>> -> memref<80xi32, #tpu.memory_space<hbm>>
    tpu.enqueue_dma source(%dma_start3A_58 : memref<80xi32, #tpu.memory_space<hbm>>) target(%dma_start3A_57 : memref<80xi32, #tpu.memory_space<vmem>>) target_semaphore(%arg15 : memref<!tpu.dma_semaphore, #tpu.memory_space<semaphore_mem>>)
    %mul3A_59 = arith.constant 10000 : i32
    %mul3A_60 = arith.muli %add3A, %mul3A_59 : i32
    %add3A_61 = arith.constant 160 : i32
    %add3A_62 = arith.addi %mul3A_60, %add3A_61 : i32
    %dma_start3A_63 = arith.constant 0 : i32
    %dma_start3A_64 = arith.constant 0 : i32
    %dma_start3A_65 = tpu.memref_slice %arg7[%dma_start3A_63, %dma_start3A_64] : memref<2x80xi32, #tpu.memory_space<vmem>> -> memref<1x80xi32, #tpu.memory_space<vmem>>
    %dma_start3A_66 = tpu.memref_squeeze %dma_start3A_65 : memref<1x80xi32, #tpu.memory_space<vmem>> -> memref<80xi32, #tpu.memory_space<vmem>>
    %dma_start3A_67 = tpu.memref_slice %arg3[%add3A_62] : memref<640000xi32, #tpu.memory_space<hbm>> -> memref<80xi32, #tpu.memory_space<hbm>>
    %dma_start3A_68 = arith.constant 0 : i32
    %dma_start3A_69 = tpu.memref_slice %arg7[%dma_start3A_63, %dma_start3A_68] : memref<2x80xi32, #tpu.memory_space<vmem>> -> memref<1x80xi32, #tpu.memory_space<vmem>>
    %dma_start3A_70 = tpu.memref_squeeze %dma_start3A_69 : memref<1x80xi32, #tpu.memory_space<vmem>> -> memref<80xi32, #tpu.memory_space<vmem>>
    %dma_start3A_71 = tpu.memref_slice %arg3[%add3A_62] : memref<640000xi32, #tpu.memory_space<hbm>> -> memref<80xi32, #tpu.memory_space<hbm>>
    tpu.enqueue_dma source(%dma_start3A_71 : memref<80xi32, #tpu.memory_space<hbm>>) target(%dma_start3A_70 : memref<80xi32, #tpu.memory_space<vmem>>) target_semaphore(%arg16 : memref<!tpu.dma_semaphore, #tpu.memory_space<semaphore_mem>>)
    %add3A_72 = arith.constant 320000 : i32
    %add3A_73 = arith.addi %add3A_72, %add3A_62 : i32
    %dma_start3A_74 = arith.constant 1 : i32
    %dma_start3A_75 = arith.constant 0 : i32
    %dma_start3A_76 = tpu.memref_slice %arg7[%dma_start3A_74, %dma_start3A_75] : memref<2x80xi32, #tpu.memory_space<vmem>> -> memref<1x80xi32, #tpu.memory_space<vmem>>
    %dma_start3A_77 = tpu.memref_squeeze %dma_start3A_76 : memref<1x80xi32, #tpu.memory_space<vmem>> -> memref<80xi32, #tpu.memory_space<vmem>>
    %dma_start3A_78 = tpu.memref_slice %arg3[%add3A_73] : memref<640000xi32, #tpu.memory_space<hbm>> -> memref<80xi32, #tpu.memory_space<hbm>>
    %dma_start3A_79 = arith.constant 0 : i32
    %dma_start3A_80 = tpu.memref_slice %arg7[%dma_start3A_74, %dma_start3A_79] : memref<2x80xi32, #tpu.memory_space<vmem>> -> memref<1x80xi32, #tpu.memory_space<vmem>>
    %dma_start3A_81 = tpu.memref_squeeze %dma_start3A_80 : memref<1x80xi32, #tpu.memory_space<vmem>> -> memref<80xi32, #tpu.memory_space<vmem>>
    %dma_start3A_82 = tpu.memref_slice %arg3[%add3A_73] : memref<640000xi32, #tpu.memory_space<hbm>> -> memref<80xi32, #tpu.memory_space<hbm>>
    tpu.enqueue_dma source(%dma_start3A_82 : memref<80xi32, #tpu.memory_space<hbm>>) target(%dma_start3A_81 : memref<80xi32, #tpu.memory_space<vmem>>) target_semaphore(%arg16 : memref<!tpu.dma_semaphore, #tpu.memory_space<semaphore_mem>>)
    %mul3A_83 = arith.constant 10000 : i32
    %mul3A_84 = arith.muli %add3A, %mul3A_83 : i32
    %add3A_85 = arith.constant 240 : i32
    %add3A_86 = arith.addi %mul3A_84, %add3A_85 : i32
    %dma_start3A_87 = arith.constant 0 : i32
    %dma_start3A_88 = arith.constant 0 : i32
    %dma_start3A_89 = tpu.memref_slice %arg8[%dma_start3A_87, %dma_start3A_88] : memref<2x80xi32, #tpu.memory_space<vmem>> -> memref<1x80xi32, #tpu.memory_space<vmem>>
    %dma_start3A_90 = tpu.memref_squeeze %dma_start3A_89 : memref<1x80xi32, #tpu.memory_space<vmem>> -> memref<80xi32, #tpu.memory_space<vmem>>
    %dma_start3A_91 = tpu.memref_slice %arg3[%add3A_86] : memref<640000xi32, #tpu.memory_space<hbm>> -> memref<80xi32, #tpu.memory_space<hbm>>
    %dma_start3A_92 = arith.constant 0 : i32
    %dma_start3A_93 = tpu.memref_slice %arg8[%dma_start3A_87, %dma_start3A_92] : memref<2x80xi32, #tpu.memory_space<vmem>> -> memref<1x80xi32, #tpu.memory_space<vmem>>
    %dma_start3A_94 = tpu.memref_squeeze %dma_start3A_93 : memref<1x80xi32, #tpu.memory_space<vmem>> -> memref<80xi32, #tpu.memory_space<vmem>>
    %dma_start3A_95 = tpu.memref_slice %arg3[%add3A_86] : memref<640000xi32, #tpu.memory_space<hbm>> -> memref<80xi32, #tpu.memory_space<hbm>>
    tpu.enqueue_dma source(%dma_start3A_95 : memref<80xi32, #tpu.memory_space<hbm>>) target(%dma_start3A_94 : memref<80xi32, #tpu.memory_space<vmem>>) target_semaphore(%arg17 : memref<!tpu.dma_semaphore, #tpu.memory_space<semaphore_mem>>)
    %add3A_96 = arith.constant 320000 : i32
    %add3A_97 = arith.addi %add3A_96, %add3A_86 : i32
    %dma_start3A_98 = arith.constant 1 : i32
    %dma_start3A_99 = arith.constant 0 : i32
    %dma_start3A_100 = tpu.memref_slice %arg8[%dma_start3A_98, %dma_start3A_99] : memref<2x80xi32, #tpu.memory_space<vmem>> -> memref<1x80xi32, #tpu.memory_space<vmem>>
    %dma_start3A_101 = tpu.memref_squeeze %dma_start3A_100 : memref<1x80xi32, #tpu.memory_space<vmem>> -> memref<80xi32, #tpu.memory_space<vmem>>
    %dma_start3A_102 = tpu.memref_slice %arg3[%add3A_97] : memref<640000xi32, #tpu.memory_space<hbm>> -> memref<80xi32, #tpu.memory_space<hbm>>
    %dma_start3A_103 = arith.constant 0 : i32
    %dma_start3A_104 = tpu.memref_slice %arg8[%dma_start3A_98, %dma_start3A_103] : memref<2x80xi32, #tpu.memory_space<vmem>> -> memref<1x80xi32, #tpu.memory_space<vmem>>
    %dma_start3A_105 = tpu.memref_squeeze %dma_start3A_104 : memref<1x80xi32, #tpu.memory_space<vmem>> -> memref<80xi32, #tpu.memory_space<vmem>>
    %dma_start3A_106 = tpu.memref_slice %arg3[%add3A_97] : memref<640000xi32, #tpu.memory_space<hbm>> -> memref<80xi32, #tpu.memory_space<hbm>>
    tpu.enqueue_dma source(%dma_start3A_106 : memref<80xi32, #tpu.memory_space<hbm>>) target(%dma_start3A_105 : memref<80xi32, #tpu.memory_space<vmem>>) target_semaphore(%arg17 : memref<!tpu.dma_semaphore, #tpu.memory_space<semaphore_mem>>)
    %dma_wait3A_107 = arith.constant 0 : i32
    %dma_wait3A_108 = arith.constant 0 : i32
    %dma_wait3A_109 = tpu.memref_slice %arg5[%dma_wait3A_107, %dma_wait3A_108] : memref<2x80xi32, #tpu.memory_space<vmem>> -> memref<1x80xi32, #tpu.memory_space<vmem>>
    %dma_wait3A_110 = tpu.memref_squeeze %dma_wait3A_109 : memref<1x80xi32, #tpu.memory_space<vmem>> -> memref<80xi32, #tpu.memory_space<vmem>>
    %dma_wait3A_111 = arith.constant 0 : i32
    %dma_wait3A_112 = tpu.memref_slice %arg3[%dma_wait3A_111] : memref<640000xi32, #tpu.memory_space<hbm>> -> memref<80xi32, #tpu.memory_space<hbm>>
    %dma_wait3A_113 = arith.constant 0 : i32
    %dma_wait3A_114 = tpu.memref_slice %arg5[%dma_wait3A_107, %dma_wait3A_113] : memref<2x80xi32, #tpu.memory_space<vmem>> -> memref<1x80xi32, #tpu.memory_space<vmem>>
    %dma_wait3A_115 = tpu.memref_squeeze %dma_wait3A_114 : memref<1x80xi32, #tpu.memory_space<vmem>> -> memref<80xi32, #tpu.memory_space<vmem>>
    %dma_wait3A_116 = arith.constant 0 : i32
    %dma_wait3A_117 = tpu.memref_slice %arg3[%dma_wait3A_116] : memref<640000xi32, #tpu.memory_space<hbm>> -> memref<80xi32, #tpu.memory_space<hbm>>
    tpu.wait_dma2 semaphore(%arg14 : memref<!tpu.dma_semaphore, #tpu.memory_space<semaphore_mem>>) src(%dma_wait3A_117 : memref<80xi32, #tpu.memory_space<hbm>>) dst(%dma_wait3A_115 : memref<80xi32, #tpu.memory_space<vmem>>)
    %dma_wait3A_118 = arith.constant 1 : i32
    %dma_wait3A_119 = arith.constant 0 : i32
    %dma_wait3A_120 = tpu.memref_slice %arg5[%dma_wait3A_118, %dma_wait3A_119] : memref<2x80xi32, #tpu.memory_space<vmem>> -> memref<1x80xi32, #tpu.memory_space<vmem>>
    %dma_wait3A_121 = tpu.memref_squeeze %dma_wait3A_120 : memref<1x80xi32, #tpu.memory_space<vmem>> -> memref<80xi32, #tpu.memory_space<vmem>>
    %dma_wait3A_122 = arith.constant 0 : i32
    %dma_wait3A_123 = tpu.memref_slice %arg3[%dma_wait3A_122] : memref<640000xi32, #tpu.memory_space<hbm>> -> memref<80xi32, #tpu.memory_space<hbm>>
    %dma_wait3A_124 = arith.constant 0 : i32
    %dma_wait3A_125 = tpu.memref_slice %arg5[%dma_wait3A_118, %dma_wait3A_124] : memref<2x80xi32, #tpu.memory_space<vmem>> -> memref<1x80xi32, #tpu.memory_space<vmem>>
    %dma_wait3A_126 = tpu.memref_squeeze %dma_wait3A_125 : memref<1x80xi32, #tpu.memory_space<vmem>> -> memref<80xi32, #tpu.memory_space<vmem>>
    %dma_wait3A_127 = arith.constant 0 : i32
    %dma_wait3A_128 = tpu.memref_slice %arg3[%dma_wait3A_127] : memref<640000xi32, #tpu.memory_space<hbm>> -> memref<80xi32, #tpu.memory_space<hbm>>
    tpu.wait_dma2 semaphore(%arg14 : memref<!tpu.dma_semaphore, #tpu.memory_space<semaphore_mem>>) src(%dma_wait3A_128 : memref<80xi32, #tpu.memory_space<hbm>>) dst(%dma_wait3A_126 : memref<80xi32, #tpu.memory_space<vmem>>)
    %dma_start3A_129 = arith.constant 0 : i32
    %dma_start3A_130 = arith.constant 0 : i32
    %dma_start3A_131 = tpu.memref_slice %arg5[%dma_start3A_129, %dma_start3A_130] : memref<2x80xi32, #tpu.memory_space<vmem>> -> memref<1x80xi32, #tpu.memory_space<vmem>>
    %dma_start3A_132 = tpu.memref_squeeze %dma_start3A_131 : memref<1x80xi32, #tpu.memory_space<vmem>> -> memref<80xi32, #tpu.memory_space<vmem>>
    %dma_start3A_133 = arith.constant 0 : i32
    %dma_start3A_134 = arith.constant 0 : i32
    %dma_start3A_135 = tpu.memref_slice %arg2[%dma_start3A_133, %dma_start3A_134] : memref<10000x128xf32, #tpu.memory_space<hbm>> -> memref<10000x128xf32, #tpu.memory_space<hbm>>
    tpu.enqueue_indirect_dma source(%dma_start3A_135 : memref<10000x128xf32, #tpu.memory_space<hbm>>) target(%arg9 : memref<80x128xf32, #tpu.memory_space<vmem>>) offsets(%dma_start3A_132 : memref<80xi32, #tpu.memory_space<vmem>>) semaphore(%arg18 : memref<!tpu.dma_semaphore, #tpu.memory_space<semaphore_mem>>)
    %dma_wait3A_136 = arith.constant 0 : i32
    %dma_wait3A_137 = arith.constant 0 : i32
    %dma_wait3A_138 = tpu.memref_slice %arg6[%dma_wait3A_136, %dma_wait3A_137] : memref<2x80xi32, #tpu.memory_space<vmem>> -> memref<1x80xi32, #tpu.memory_space<vmem>>
    %dma_wait3A_139 = tpu.memref_squeeze %dma_wait3A_138 : memref<1x80xi32, #tpu.memory_space<vmem>> -> memref<80xi32, #tpu.memory_space<vmem>>
    %dma_wait3A_140 = arith.constant 0 : i32
    %dma_wait3A_141 = tpu.memref_slice %arg3[%dma_wait3A_140] : memref<640000xi32, #tpu.memory_space<hbm>> -> memref<80xi32, #tpu.memory_space<hbm>>
    %dma_wait3A_142 = arith.constant 0 : i32
    %dma_wait3A_143 = tpu.memref_slice %arg6[%dma_wait3A_136, %dma_wait3A_142] : memref<2x80xi32, #tpu.memory_space<vmem>> -> memref<1x80xi32, #tpu.memory_space<vmem>>
    %dma_wait3A_144 = tpu.memref_squeeze %dma_wait3A_143 : memref<1x80xi32, #tpu.memory_space<vmem>> -> memref<80xi32, #tpu.memory_space<vmem>>
    %dma_wait3A_145 = arith.constant 0 : i32
    %dma_wait3A_146 = tpu.memref_slice %arg3[%dma_wait3A_145] : memref<640000xi32, #tpu.memory_space<hbm>> -> memref<80xi32, #tpu.memory_space<hbm>>
    tpu.wait_dma2 semaphore(%arg15 : memref<!tpu.dma_semaphore, #tpu.memory_space<semaphore_mem>>) src(%dma_wait3A_146 : memref<80xi32, #tpu.memory_space<hbm>>) dst(%dma_wait3A_144 : memref<80xi32, #tpu.memory_space<vmem>>)
    %dma_wait3A_147 = arith.constant 1 : i32
    %dma_wait3A_148 = arith.constant 0 : i32
    %dma_wait3A_149 = tpu.memref_slice %arg6[%dma_wait3A_147, %dma_wait3A_148] : memref<2x80xi32, #tpu.memory_space<vmem>> -> memref<1x80xi32, #tpu.memory_space<vmem>>
    %dma_wait3A_150 = tpu.memref_squeeze %dma_wait3A_149 : memref<1x80xi32, #tpu.memory_space<vmem>> -> memref<80xi32, #tpu.memory_space<vmem>>
    %dma_wait3A_151 = arith.constant 0 : i32
    %dma_wait3A_152 = tpu.memref_slice %arg3[%dma_wait3A_151] : memref<640000xi32, #tpu.memory_space<hbm>> -> memref<80xi32, #tpu.memory_space<hbm>>
    %dma_wait3A_153 = arith.constant 0 : i32
    %dma_wait3A_154 = tpu.memref_slice %arg6[%dma_wait3A_147, %dma_wait3A_153] : memref<2x80xi32, #tpu.memory_space<vmem>> -> memref<1x80xi32, #tpu.memory_space<vmem>>
    %dma_wait3A_155 = tpu.memref_squeeze %dma_wait3A_154 : memref<1x80xi32, #tpu.memory_space<vmem>> -> memref<80xi32, #tpu.memory_space<vmem>>
    %dma_wait3A_156 = arith.constant 0 : i32
    %dma_wait3A_157 = tpu.memref_slice %arg3[%dma_wait3A_156] : memref<640000xi32, #tpu.memory_space<hbm>> -> memref<80xi32, #tpu.memory_space<hbm>>
    tpu.wait_dma2 semaphore(%arg15 : memref<!tpu.dma_semaphore, #tpu.memory_space<semaphore_mem>>) src(%dma_wait3A_157 : memref<80xi32, #tpu.memory_space<hbm>>) dst(%dma_wait3A_155 : memref<80xi32, #tpu.memory_space<vmem>>)
    %dma_start3A_158 = arith.constant 0 : i32
    %dma_start3A_159 = arith.constant 0 : i32
    %dma_start3A_160 = tpu.memref_slice %arg6[%dma_start3A_158, %dma_start3A_159] : memref<2x80xi32, #tpu.memory_space<vmem>> -> memref<1x80xi32, #tpu.memory_space<vmem>>
    %dma_start3A_161 = tpu.memref_squeeze %dma_start3A_160 : memref<1x80xi32, #tpu.memory_space<vmem>> -> memref<80xi32, #tpu.memory_space<vmem>>
    %dma_start3A_162 = arith.constant 0 : i32
    %dma_start3A_163 = arith.constant 0 : i32
    %dma_start3A_164 = tpu.memref_slice %arg2[%dma_start3A_162, %dma_start3A_163] : memref<10000x128xf32, #tpu.memory_space<hbm>> -> memref<10000x128xf32, #tpu.memory_space<hbm>>
    tpu.enqueue_indirect_dma source(%dma_start3A_164 : memref<10000x128xf32, #tpu.memory_space<hbm>>) target(%arg10 : memref<80x128xf32, #tpu.memory_space<vmem>>) offsets(%dma_start3A_161 : memref<80xi32, #tpu.memory_space<vmem>>) semaphore(%arg19 : memref<!tpu.dma_semaphore, #tpu.memory_space<semaphore_mem>>)
    %scan3A = arith.constant 0 : i32
    %scan3A_165 = arith.constant 0 : i32
    %scan3A_166 = arith.constant 31 : i32
    %scan3A_167 = arith.addi %scan3A_165, %scan3A_166 : i32
    %scan3A_168 = arith.constant 1 : i32
    scf.for %scan3A_207 = %scan3A_165 to %scan3A_167 step %scan3A_168  : i32 {
      %mul3A_208 = arith.constant 4 : i32
      %mul3A_209 = arith.muli %mul3A_208, %scan3A_207 : i32
      %add3A_210 = arith.constant 0 : i32
      %add3A_211 = arith.addi %mul3A_209, %add3A_210 : i32
      %add3A_212 = arith.constant 2 : i32
      %add3A_213 = arith.addi %add3A_211, %add3A_212 : i32
      %lt3A = arith.constant 125 : i32
      %lt3A_214 = arith.cmpi slt, %add3A_213, %lt3A : i32
      %convert_element_type3A_215 = arith.extui %lt3A_214 : i1 to i32
      %cond3A_216 = arith.constant 0 : i32
      %cond3A_217 = arith.cmpi ne, %convert_element_type3A_215, %cond3A_216 : i32
      scf.if %cond3A_217 {
        %dma_wait3A_357 = arith.constant 0 : i32
        %dma_wait3A_358 = arith.constant 0 : i32
        %dma_wait3A_359 = tpu.memref_slice %arg7[%dma_wait3A_357, %dma_wait3A_358] : memref<2x80xi32, #tpu.memory_space<vmem>> -> memref<1x80xi32, #tpu.memory_space<vmem>>
        %dma_wait3A_360 = tpu.memref_squeeze %dma_wait3A_359 : memref<1x80xi32, #tpu.memory_space<vmem>> -> memref<80xi32, #tpu.memory_space<vmem>>
        %dma_wait3A_361 = arith.constant 0 : i32
        %dma_wait3A_362 = tpu.memref_slice %arg3[%dma_wait3A_361] : memref<640000xi32, #tpu.memory_space<hbm>> -> memref<80xi32, #tpu.memory_space<hbm>>
        %dma_wait3A_363 = arith.constant 0 : i32
        %dma_wait3A_364 = tpu.memref_slice %arg7[%dma_wait3A_357, %dma_wait3A_363] : memref<2x80xi32, #tpu.memory_space<vmem>> -> memref<1x80xi32, #tpu.memory_space<vmem>>
        %dma_wait3A_365 = tpu.memref_squeeze %dma_wait3A_364 : memref<1x80xi32, #tpu.memory_space<vmem>> -> memref<80xi32, #tpu.memory_space<vmem>>
        %dma_wait3A_366 = arith.constant 0 : i32
        %dma_wait3A_367 = tpu.memref_slice %arg3[%dma_wait3A_366] : memref<640000xi32, #tpu.memory_space<hbm>> -> memref<80xi32, #tpu.memory_space<hbm>>
        tpu.wait_dma2 semaphore(%arg16 : memref<!tpu.dma_semaphore, #tpu.memory_space<semaphore_mem>>) src(%dma_wait3A_367 : memref<80xi32, #tpu.memory_space<hbm>>) dst(%dma_wait3A_365 : memref<80xi32, #tpu.memory_space<vmem>>)
        %dma_wait3A_368 = arith.constant 1 : i32
        %dma_wait3A_369 = arith.constant 0 : i32
        %dma_wait3A_370 = tpu.memref_slice %arg7[%dma_wait3A_368, %dma_wait3A_369] : memref<2x80xi32, #tpu.memory_space<vmem>> -> memref<1x80xi32, #tpu.memory_space<vmem>>
        %dma_wait3A_371 = tpu.memref_squeeze %dma_wait3A_370 : memref<1x80xi32, #tpu.memory_space<vmem>> -> memref<80xi32, #tpu.memory_space<vmem>>
        %dma_wait3A_372 = arith.constant 0 : i32
        %dma_wait3A_373 = tpu.memref_slice %arg3[%dma_wait3A_372] : memref<640000xi32, #tpu.memory_space<hbm>> -> memref<80xi32, #tpu.memory_space<hbm>>
        %dma_wait3A_374 = arith.constant 0 : i32
        %dma_wait3A_375 = tpu.memref_slice %arg7[%dma_wait3A_368, %dma_wait3A_374] : memref<2x80xi32, #tpu.memory_space<vmem>> -> memref<1x80xi32, #tpu.memory_space<vmem>>
        %dma_wait3A_376 = tpu.memref_squeeze %dma_wait3A_375 : memref<1x80xi32, #tpu.memory_space<vmem>> -> memref<80xi32, #tpu.memory_space<vmem>>
        %dma_wait3A_377 = arith.constant 0 : i32
        %dma_wait3A_378 = tpu.memref_slice %arg3[%dma_wait3A_377] : memref<640000xi32, #tpu.memory_space<hbm>> -> memref<80xi32, #tpu.memory_space<hbm>>
        tpu.wait_dma2 semaphore(%arg16 : memref<!tpu.dma_semaphore, #tpu.memory_space<semaphore_mem>>) src(%dma_wait3A_378 : memref<80xi32, #tpu.memory_space<hbm>>) dst(%dma_wait3A_376 : memref<80xi32, #tpu.memory_space<vmem>>)
        %dma_start3A_379 = arith.constant 0 : i32
        %dma_start3A_380 = arith.constant 0 : i32
        %dma_start3A_381 = tpu.memref_slice %arg7[%dma_start3A_379, %dma_start3A_380] : memref<2x80xi32, #tpu.memory_space<vmem>> -> memref<1x80xi32, #tpu.memory_space<vmem>>
        %dma_start3A_382 = tpu.memref_squeeze %dma_start3A_381 : memref<1x80xi32, #tpu.memory_space<vmem>> -> memref<80xi32, #tpu.memory_space<vmem>>
        %dma_start3A_383 = arith.constant 0 : i32
        %dma_start3A_384 = arith.constant 0 : i32
        %dma_start3A_385 = tpu.memref_slice %arg2[%dma_start3A_383, %dma_start3A_384] : memref<10000x128xf32, #tpu.memory_space<hbm>> -> memref<10000x128xf32, #tpu.memory_space<hbm>>
        tpu.enqueue_indirect_dma source(%dma_start3A_385 : memref<10000x128xf32, #tpu.memory_space<hbm>>) target(%arg11 : memref<80x128xf32, #tpu.memory_space<vmem>>) offsets(%dma_start3A_382 : memref<80xi32, #tpu.memory_space<vmem>>) semaphore(%arg20 : memref<!tpu.dma_semaphore, #tpu.memory_space<semaphore_mem>>)
      } else {
      }
      %dma_wait3A_218 = arith.constant 0 : i32
      %dma_wait3A_219 = arith.constant 0 : i32
      %dma_wait3A_220 = tpu.memref_slice %arg5[%dma_wait3A_218, %dma_wait3A_219] : memref<2x80xi32, #tpu.memory_space<vmem>> -> memref<1x80xi32, #tpu.memory_space<vmem>>
      %dma_wait3A_221 = tpu.memref_squeeze %dma_wait3A_220 : memref<1x80xi32, #tpu.memory_space<vmem>> -> memref<80xi32, #tpu.memory_space<vmem>>
      %dma_wait3A_222 = arith.constant 0 : i32
      %dma_wait3A_223 = arith.constant 0 : i32
      %dma_wait3A_224 = tpu.memref_slice %arg2[%dma_wait3A_222, %dma_wait3A_223] : memref<10000x128xf32, #tpu.memory_space<hbm>> -> memref<10000x128xf32, #tpu.memory_space<hbm>>
      tpu.wait_indirect_dma semaphore(%arg18 : memref<!tpu.dma_semaphore, #tpu.memory_space<semaphore_mem>>) src(%dma_wait3A_224 : memref<10000x128xf32, #tpu.memory_space<hbm>>) dst(%arg9 : memref<80x128xf32, #tpu.memory_space<vmem>>)
      %dma_start3A_225 = arith.constant 1 : i32
      %dma_start3A_226 = arith.constant 0 : i32
      %dma_start3A_227 = tpu.memref_slice %arg5[%dma_start3A_225, %dma_start3A_226] : memref<2x80xi32, #tpu.memory_space<vmem>> -> memref<1x80xi32, #tpu.memory_space<vmem>>
      %dma_start3A_228 = tpu.memref_squeeze %dma_start3A_227 : memref<1x80xi32, #tpu.memory_space<vmem>> -> memref<80xi32, #tpu.memory_space<vmem>>
      %dma_start3A_229 = arith.constant 0 : i32
      %dma_start3A_230 = arith.constant 0 : i32
      %dma_start3A_231 = tpu.memref_slice %arg13[%dma_start3A_229, %dma_start3A_230] : memref<10000x128xf32, #tpu.memory_space<vmem_shared>> -> memref<10000x128xf32, #tpu.memory_space<vmem_shared>>
      tpu.enqueue_indirect_dma source(%arg9 : memref<80x128xf32, #tpu.memory_space<vmem>>) target(%dma_start3A_231 : memref<10000x128xf32, #tpu.memory_space<vmem_shared>>) offsets(%dma_start3A_228 : memref<80xi32, #tpu.memory_space<vmem>>) semaphore(%arg22 : memref<!tpu.dma_semaphore, #tpu.memory_space<semaphore_mem>>) {add = true}
      %dma_wait3A_232 = arith.constant 1 : i32
      %dma_wait3A_233 = arith.constant 0 : i32
      %dma_wait3A_234 = tpu.memref_slice %arg5[%dma_wait3A_232, %dma_wait3A_233] : memref<2x80xi32, #tpu.memory_space<vmem>> -> memref<1x80xi32, #tpu.memory_space<vmem>>
      %dma_wait3A_235 = tpu.memref_squeeze %dma_wait3A_234 : memref<1x80xi32, #tpu.memory_space<vmem>> -> memref<80xi32, #tpu.memory_space<vmem>>
      %dma_wait3A_236 = arith.constant 0 : i32
      %dma_wait3A_237 = arith.constant 0 : i32
      %dma_wait3A_238 = tpu.memref_slice %arg13[%dma_wait3A_236, %dma_wait3A_237] : memref<10000x128xf32, #tpu.memory_space<vmem_shared>> -> memref<10000x128xf32, #tpu.memory_space<vmem_shared>>
      tpu.wait_indirect_dma semaphore(%arg22 : memref<!tpu.dma_semaphore, #tpu.memory_space<semaphore_mem>>) src(%arg9 : memref<80x128xf32, #tpu.memory_space<vmem>>) dst(%dma_wait3A_238 : memref<10000x128xf32, #tpu.memory_space<vmem_shared>>)
      %add3A_239 = arith.constant 4 : i32
      %add3A_240 = arith.addi %add3A_211, %add3A_239 : i32
      %lt3A_241 = arith.constant 125 : i32
      %lt3A_242 = arith.cmpi slt, %add3A_240, %lt3A_241 : i32
      %convert_element_type3A_243 = arith.extui %lt3A_242 : i1 to i32
      %cond3A_244 = arith.constant 0 : i32
      %cond3A_245 = arith.cmpi ne, %convert_element_type3A_243, %cond3A_244 : i32
      scf.if %cond3A_245 {
        %add3A_357 = arith.constant 4 : i32
        %add3A_358 = arith.addi %add3A_211, %add3A_357 : i32
        %mul3A_359 = arith.constant 10000 : i32
        %mul3A_360 = arith.muli %add3A, %mul3A_359 : i32
        %mul3A_361 = arith.constant 80 : i32
        %mul3A_362 = arith.muli %add3A_358, %mul3A_361 : i32
        %add3A_363 = arith.addi %mul3A_360, %mul3A_362 : i32
        %dma_start3A_364 = arith.constant 0 : i32
        %dma_start3A_365 = arith.constant 0 : i32
        %dma_start3A_366 = tpu.memref_slice %arg5[%dma_start3A_364, %dma_start3A_365] : memref<2x80xi32, #tpu.memory_space<vmem>> -> memref<1x80xi32, #tpu.memory_space<vmem>>
        %dma_start3A_367 = tpu.memref_squeeze %dma_start3A_366 : memref<1x80xi32, #tpu.memory_space<vmem>> -> memref<80xi32, #tpu.memory_space<vmem>>
        %dma_start3A_368 = tpu.memref_slice %arg3[%add3A_363] : memref<640000xi32, #tpu.memory_space<hbm>> -> memref<80xi32, #tpu.memory_space<hbm>>
        %dma_start3A_369 = arith.constant 0 : i32
        %dma_start3A_370 = tpu.memref_slice %arg5[%dma_start3A_364, %dma_start3A_369] : memref<2x80xi32, #tpu.memory_space<vmem>> -> memref<1x80xi32, #tpu.memory_space<vmem>>
        %dma_start3A_371 = tpu.memref_squeeze %dma_start3A_370 : memref<1x80xi32, #tpu.memory_space<vmem>> -> memref<80xi32, #tpu.memory_space<vmem>>
        %dma_start3A_372 = tpu.memref_slice %arg3[%add3A_363] : memref<640000xi32, #tpu.memory_space<hbm>> -> memref<80xi32, #tpu.memory_space<hbm>>
        tpu.enqueue_dma source(%dma_start3A_372 : memref<80xi32, #tpu.memory_space<hbm>>) target(%dma_start3A_371 : memref<80xi32, #tpu.memory_space<vmem>>) target_semaphore(%arg14 : memref<!tpu.dma_semaphore, #tpu.memory_space<semaphore_mem>>)
        %add3A_373 = arith.constant 320000 : i32
        %add3A_374 = arith.addi %add3A_373, %add3A_363 : i32
        %dma_start3A_375 = arith.constant 1 : i32
        %dma_start3A_376 = arith.constant 0 : i32
        %dma_start3A_377 = tpu.memref_slice %arg5[%dma_start3A_375, %dma_start3A_376] : memref<2x80xi32, #tpu.memory_space<vmem>> -> memref<1x80xi32, #tpu.memory_space<vmem>>
        %dma_start3A_378 = tpu.memref_squeeze %dma_start3A_377 : memref<1x80xi32, #tpu.memory_space<vmem>> -> memref<80xi32, #tpu.memory_space<vmem>>
        %dma_start3A_379 = tpu.memref_slice %arg3[%add3A_374] : memref<640000xi32, #tpu.memory_space<hbm>> -> memref<80xi32, #tpu.memory_space<hbm>>
        %dma_start3A_380 = arith.constant 0 : i32
        %dma_start3A_381 = tpu.memref_slice %arg5[%dma_start3A_375, %dma_start3A_380] : memref<2x80xi32, #tpu.memory_space<vmem>> -> memref<1x80xi32, #tpu.memory_space<vmem>>
        %dma_start3A_382 = tpu.memref_squeeze %dma_start3A_381 : memref<1x80xi32, #tpu.memory_space<vmem>> -> memref<80xi32, #tpu.memory_space<vmem>>
        %dma_start3A_383 = tpu.memref_slice %arg3[%add3A_374] : memref<640000xi32, #tpu.memory_space<hbm>> -> memref<80xi32, #tpu.memory_space<hbm>>
        tpu.enqueue_dma source(%dma_start3A_383 : memref<80xi32, #tpu.memory_space<hbm>>) target(%dma_start3A_382 : memref<80xi32, #tpu.memory_space<vmem>>) target_semaphore(%arg14 : memref<!tpu.dma_semaphore, #tpu.memory_space<semaphore_mem>>)
      } else {
      }
      %add3A_246 = arith.constant 1 : i32
      %add3A_247 = arith.addi %mul3A_209, %add3A_246 : i32
      %add3A_248 = arith.constant 2 : i32
      %add3A_249 = arith.addi %add3A_247, %add3A_248 : i32
      %lt3A_250 = arith.constant 125 : i32
      %lt3A_251 = arith.cmpi slt, %add3A_249, %lt3A_250 : i32
      %convert_element_type3A_252 = arith.extui %lt3A_251 : i1 to i32
      %cond3A_253 = arith.constant 0 : i32
      %cond3A_254 = arith.cmpi ne, %convert_element_type3A_252, %cond3A_253 : i32
      scf.if %cond3A_254 {
        %dma_wait3A_357 = arith.constant 0 : i32
        %dma_wait3A_358 = arith.constant 0 : i32
        %dma_wait3A_359 = tpu.memref_slice %arg8[%dma_wait3A_357, %dma_wait3A_358] : memref<2x80xi32, #tpu.memory_space<vmem>> -> memref<1x80xi32, #tpu.memory_space<vmem>>
        %dma_wait3A_360 = tpu.memref_squeeze %dma_wait3A_359 : memref<1x80xi32, #tpu.memory_space<vmem>> -> memref<80xi32, #tpu.memory_space<vmem>>
        %dma_wait3A_361 = arith.constant 0 : i32
        %dma_wait3A_362 = tpu.memref_slice %arg3[%dma_wait3A_361] : memref<640000xi32, #tpu.memory_space<hbm>> -> memref<80xi32, #tpu.memory_space<hbm>>
        %dma_wait3A_363 = arith.constant 0 : i32
        %dma_wait3A_364 = tpu.memref_slice %arg8[%dma_wait3A_357, %dma_wait3A_363] : memref<2x80xi32, #tpu.memory_space<vmem>> -> memref<1x80xi32, #tpu.memory_space<vmem>>
        %dma_wait3A_365 = tpu.memref_squeeze %dma_wait3A_364 : memref<1x80xi32, #tpu.memory_space<vmem>> -> memref<80xi32, #tpu.memory_space<vmem>>
        %dma_wait3A_366 = arith.constant 0 : i32
        %dma_wait3A_367 = tpu.memref_slice %arg3[%dma_wait3A_366] : memref<640000xi32, #tpu.memory_space<hbm>> -> memref<80xi32, #tpu.memory_space<hbm>>
        tpu.wait_dma2 semaphore(%arg17 : memref<!tpu.dma_semaphore, #tpu.memory_space<semaphore_mem>>) src(%dma_wait3A_367 : memref<80xi32, #tpu.memory_space<hbm>>) dst(%dma_wait3A_365 : memref<80xi32, #tpu.memory_space<vmem>>)
        %dma_wait3A_368 = arith.constant 1 : i32
        %dma_wait3A_369 = arith.constant 0 : i32
        %dma_wait3A_370 = tpu.memref_slice %arg8[%dma_wait3A_368, %dma_wait3A_369] : memref<2x80xi32, #tpu.memory_space<vmem>> -> memref<1x80xi32, #tpu.memory_space<vmem>>
        %dma_wait3A_371 = tpu.memref_squeeze %dma_wait3A_370 : memref<1x80xi32, #tpu.memory_space<vmem>> -> memref<80xi32, #tpu.memory_space<vmem>>
        %dma_wait3A_372 = arith.constant 0 : i32
        %dma_wait3A_373 = tpu.memref_slice %arg3[%dma_wait3A_372] : memref<640000xi32, #tpu.memory_space<hbm>> -> memref<80xi32, #tpu.memory_space<hbm>>
        %dma_wait3A_374 = arith.constant 0 : i32
        %dma_wait3A_375 = tpu.memref_slice %arg8[%dma_wait3A_368, %dma_wait3A_374] : memref<2x80xi32, #tpu.memory_space<vmem>> -> memref<1x80xi32, #tpu.memory_space<vmem>>
        %dma_wait3A_376 = tpu.memref_squeeze %dma_wait3A_375 : memref<1x80xi32, #tpu.memory_space<vmem>> -> memref<80xi32, #tpu.memory_space<vmem>>
        %dma_wait3A_377 = arith.constant 0 : i32
        %dma_wait3A_378 = tpu.memref_slice %arg3[%dma_wait3A_377] : memref<640000xi32, #tpu.memory_space<hbm>> -> memref<80xi32, #tpu.memory_space<hbm>>
        tpu.wait_dma2 semaphore(%arg17 : memref<!tpu.dma_semaphore, #tpu.memory_space<semaphore_mem>>) src(%dma_wait3A_378 : memref<80xi32, #tpu.memory_space<hbm>>) dst(%dma_wait3A_376 : memref<80xi32, #tpu.memory_space<vmem>>)
        %dma_start3A_379 = arith.constant 0 : i32
        %dma_start3A_380 = arith.constant 0 : i32
        %dma_start3A_381 = tpu.memref_slice %arg8[%dma_start3A_379, %dma_start3A_380] : memref<2x80xi32, #tpu.memory_space<vmem>> -> memref<1x80xi32, #tpu.memory_space<vmem>>
        %dma_start3A_382 = tpu.memref_squeeze %dma_start3A_381 : memref<1x80xi32, #tpu.memory_space<vmem>> -> memref<80xi32, #tpu.memory_space<vmem>>
        %dma_start3A_383 = arith.constant 0 : i32
        %dma_start3A_384 = arith.constant 0 : i32
        %dma_start3A_385 = tpu.memref_slice %arg2[%dma_start3A_383, %dma_start3A_384] : memref<10000x128xf32, #tpu.memory_space<hbm>> -> memref<10000x128xf32, #tpu.memory_space<hbm>>
        tpu.enqueue_indirect_dma source(%dma_start3A_385 : memref<10000x128xf32, #tpu.memory_space<hbm>>) target(%arg12 : memref<80x128xf32, #tpu.memory_space<vmem>>) offsets(%dma_start3A_382 : memref<80xi32, #tpu.memory_space<vmem>>) semaphore(%arg21 : memref<!tpu.dma_semaphore, #tpu.memory_space<semaphore_mem>>)
      } else {
      }
      %dma_wait3A_255 = arith.constant 0 : i32
      %dma_wait3A_256 = arith.constant 0 : i32
      %dma_wait3A_257 = tpu.memref_slice %arg6[%dma_wait3A_255, %dma_wait3A_256] : memref<2x80xi32, #tpu.memory_space<vmem>> -> memref<1x80xi32, #tpu.memory_space<vmem>>
      %dma_wait3A_258 = tpu.memref_squeeze %dma_wait3A_257 : memref<1x80xi32, #tpu.memory_space<vmem>> -> memref<80xi32, #tpu.memory_space<vmem>>
      %dma_wait3A_259 = arith.constant 0 : i32
      %dma_wait3A_260 = arith.constant 0 : i32
      %dma_wait3A_261 = tpu.memref_slice %arg2[%dma_wait3A_259, %dma_wait3A_260] : memref<10000x128xf32, #tpu.memory_space<hbm>> -> memref<10000x128xf32, #tpu.memory_space<hbm>>
      tpu.wait_indirect_dma semaphore(%arg19 : memref<!tpu.dma_semaphore, #tpu.memory_space<semaphore_mem>>) src(%dma_wait3A_261 : memref<10000x128xf32, #tpu.memory_space<hbm>>) dst(%arg10 : memref<80x128xf32, #tpu.memory_space<vmem>>)
      %dma_start3A_262 = arith.constant 1 : i32
      %dma_start3A_263 = arith.constant 0 : i32
      %dma_start3A_264 = tpu.memref_slice %arg6[%dma_start3A_262, %dma_start3A_263] : memref<2x80xi32, #tpu.memory_space<vmem>> -> memref<1x80xi32, #tpu.memory_space<vmem>>
      %dma_start3A_265 = tpu.memref_squeeze %dma_start3A_264 : memref<1x80xi32, #tpu.memory_space<vmem>> -> memref<80xi32, #tpu.memory_space<vmem>>
      %dma_start3A_266 = arith.constant 0 : i32
      %dma_start3A_267 = arith.constant 0 : i32
      %dma_start3A_268 = tpu.memref_slice %arg13[%dma_start3A_266, %dma_start3A_267] : memref<10000x128xf32, #tpu.memory_space<vmem_shared>> -> memref<10000x128xf32, #tpu.memory_space<vmem_shared>>
      tpu.enqueue_indirect_dma source(%arg10 : memref<80x128xf32, #tpu.memory_space<vmem>>) target(%dma_start3A_268 : memref<10000x128xf32, #tpu.memory_space<vmem_shared>>) offsets(%dma_start3A_265 : memref<80xi32, #tpu.memory_space<vmem>>) semaphore(%arg23 : memref<!tpu.dma_semaphore, #tpu.memory_space<semaphore_mem>>) {add = true}
      %dma_wait3A_269 = arith.constant 1 : i32
      %dma_wait3A_270 = arith.constant 0 : i32
      %dma_wait3A_271 = tpu.memref_slice %arg6[%dma_wait3A_269, %dma_wait3A_270] : memref<2x80xi32, #tpu.memory_space<vmem>> -> memref<1x80xi32, #tpu.memory_space<vmem>>
      %dma_wait3A_272 = tpu.memref_squeeze %dma_wait3A_271 : memref<1x80xi32, #tpu.memory_space<vmem>> -> memref<80xi32, #tpu.memory_space<vmem>>
      %dma_wait3A_273 = arith.constant 0 : i32
      %dma_wait3A_274 = arith.constant 0 : i32
      %dma_wait3A_275 = tpu.memref_slice %arg13[%dma_wait3A_273, %dma_wait3A_274] : memref<10000x128xf32, #tpu.memory_space<vmem_shared>> -> memref<10000x128xf32, #tpu.memory_space<vmem_shared>>
      tpu.wait_indirect_dma semaphore(%arg23 : memref<!tpu.dma_semaphore, #tpu.memory_space<semaphore_mem>>) src(%arg10 : memref<80x128xf32, #tpu.memory_space<vmem>>) dst(%dma_wait3A_275 : memref<10000x128xf32, #tpu.memory_space<vmem_shared>>)
      %add3A_276 = arith.constant 4 : i32
      %add3A_277 = arith.addi %add3A_247, %add3A_276 : i32
      %lt3A_278 = arith.constant 125 : i32
      %lt3A_279 = arith.cmpi slt, %add3A_277, %lt3A_278 : i32
      %convert_element_type3A_280 = arith.extui %lt3A_279 : i1 to i32
      %cond3A_281 = arith.constant 0 : i32
      %cond3A_282 = arith.cmpi ne, %convert_element_type3A_280, %cond3A_281 : i32
      scf.if %cond3A_282 {
        %add3A_357 = arith.constant 4 : i32
        %add3A_358 = arith.addi %add3A_247, %add3A_357 : i32
        %mul3A_359 = arith.constant 10000 : i32
        %mul3A_360 = arith.muli %add3A, %mul3A_359 : i32
        %mul3A_361 = arith.constant 80 : i32
        %mul3A_362 = arith.muli %add3A_358, %mul3A_361 : i32
        %add3A_363 = arith.addi %mul3A_360, %mul3A_362 : i32
        %dma_start3A_364 = arith.constant 0 : i32
        %dma_start3A_365 = arith.constant 0 : i32
        %dma_start3A_366 = tpu.memref_slice %arg6[%dma_start3A_364, %dma_start3A_365] : memref<2x80xi32, #tpu.memory_space<vmem>> -> memref<1x80xi32, #tpu.memory_space<vmem>>
        %dma_start3A_367 = tpu.memref_squeeze %dma_start3A_366 : memref<1x80xi32, #tpu.memory_space<vmem>> -> memref<80xi32, #tpu.memory_space<vmem>>
        %dma_start3A_368 = tpu.memref_slice %arg3[%add3A_363] : memref<640000xi32, #tpu.memory_space<hbm>> -> memref<80xi32, #tpu.memory_space<hbm>>
        %dma_start3A_369 = arith.constant 0 : i32
        %dma_start3A_370 = tpu.memref_slice %arg6[%dma_start3A_364, %dma_start3A_369] : memref<2x80xi32, #tpu.memory_space<vmem>> -> memref<1x80xi32, #tpu.memory_space<vmem>>
        %dma_start3A_371 = tpu.memref_squeeze %dma_start3A_370 : memref<1x80xi32, #tpu.memory_space<vmem>> -> memref<80xi32, #tpu.memory_space<vmem>>
        %dma_start3A_372 = tpu.memref_slice %arg3[%add3A_363] : memref<640000xi32, #tpu.memory_space<hbm>> -> memref<80xi32, #tpu.memory_space<hbm>>
        tpu.enqueue_dma source(%dma_start3A_372 : memref<80xi32, #tpu.memory_space<hbm>>) target(%dma_start3A_371 : memref<80xi32, #tpu.memory_space<vmem>>) target_semaphore(%arg15 : memref<!tpu.dma_semaphore, #tpu.memory_space<semaphore_mem>>)
        %add3A_373 = arith.constant 320000 : i32
        %add3A_374 = arith.addi %add3A_373, %add3A_363 : i32
        %dma_start3A_375 = arith.constant 1 : i32
        %dma_start3A_376 = arith.constant 0 : i32
        %dma_start3A_377 = tpu.memref_slice %arg6[%dma_start3A_375, %dma_start3A_376] : memref<2x80xi32, #tpu.memory_space<vmem>> -> memref<1x80xi32, #tpu.memory_space<vmem>>
        %dma_start3A_378 = tpu.memref_squeeze %dma_start3A_377 : memref<1x80xi32, #tpu.memory_space<vmem>> -> memref<80xi32, #tpu.memory_space<vmem>>
        %dma_start3A_379 = tpu.memref_slice %arg3[%add3A_374] : memref<640000xi32, #tpu.memory_space<hbm>> -> memref<80xi32, #tpu.memory_space<hbm>>
        %dma_start3A_380 = arith.constant 0 : i32
        %dma_start3A_381 = tpu.memref_slice %arg6[%dma_start3A_375, %dma_start3A_380] : memref<2x80xi32, #tpu.memory_space<vmem>> -> memref<1x80xi32, #tpu.memory_space<vmem>>
        %dma_start3A_382 = tpu.memref_squeeze %dma_start3A_381 : memref<1x80xi32, #tpu.memory_space<vmem>> -> memref<80xi32, #tpu.memory_space<vmem>>
        %dma_start3A_383 = tpu.memref_slice %arg3[%add3A_374] : memref<640000xi32, #tpu.memory_space<hbm>> -> memref<80xi32, #tpu.memory_space<hbm>>
        tpu.enqueue_dma source(%dma_start3A_383 : memref<80xi32, #tpu.memory_space<hbm>>) target(%dma_start3A_382 : memref<80xi32, #tpu.memory_space<vmem>>) target_semaphore(%arg15 : memref<!tpu.dma_semaphore, #tpu.memory_space<semaphore_mem>>)
      } else {
      }
      %add3A_283 = arith.constant 2 : i32
      %add3A_284 = arith.addi %mul3A_209, %add3A_283 : i32
      %add3A_285 = arith.constant 2 : i32
      %add3A_286 = arith.addi %add3A_284, %add3A_285 : i32
      %lt3A_287 = arith.constant 125 : i32
      %lt3A_288 = arith.cmpi slt, %add3A_286, %lt3A_287 : i32
      %convert_element_type3A_289 = arith.extui %lt3A_288 : i1 to i32
      %cond3A_290 = arith.constant 0 : i32
      %cond3A_291 = arith.cmpi ne, %convert_element_type3A_289, %cond3A_290 : i32
      scf.if %cond3A_291 {
        %dma_wait3A_357 = arith.constant 0 : i32
        %dma_wait3A_358 = arith.constant 0 : i32
        %dma_wait3A_359 = tpu.memref_slice %arg5[%dma_wait3A_357, %dma_wait3A_358] : memref<2x80xi32, #tpu.memory_space<vmem>> -> memref<1x80xi32, #tpu.memory_space<vmem>>
        %dma_wait3A_360 = tpu.memref_squeeze %dma_wait3A_359 : memref<1x80xi32, #tpu.memory_space<vmem>> -> memref<80xi32, #tpu.memory_space<vmem>>
        %dma_wait3A_361 = arith.constant 0 : i32
        %dma_wait3A_362 = tpu.memref_slice %arg3[%dma_wait3A_361] : memref<640000xi32, #tpu.memory_space<hbm>> -> memref<80xi32, #tpu.memory_space<hbm>>
        %dma_wait3A_363 = arith.constant 0 : i32
        %dma_wait3A_364 = tpu.memref_slice %arg5[%dma_wait3A_357, %dma_wait3A_363] : memref<2x80xi32, #tpu.memory_space<vmem>> -> memref<1x80xi32, #tpu.memory_space<vmem>>
        %dma_wait3A_365 = tpu.memref_squeeze %dma_wait3A_364 : memref<1x80xi32, #tpu.memory_space<vmem>> -> memref<80xi32, #tpu.memory_space<vmem>>
        %dma_wait3A_366 = arith.constant 0 : i32
        %dma_wait3A_367 = tpu.memref_slice %arg3[%dma_wait3A_366] : memref<640000xi32, #tpu.memory_space<hbm>> -> memref<80xi32, #tpu.memory_space<hbm>>
        tpu.wait_dma2 semaphore(%arg14 : memref<!tpu.dma_semaphore, #tpu.memory_space<semaphore_mem>>) src(%dma_wait3A_367 : memref<80xi32, #tpu.memory_space<hbm>>) dst(%dma_wait3A_365 : memref<80xi32, #tpu.memory_space<vmem>>)
        %dma_wait3A_368 = arith.constant 1 : i32
        %dma_wait3A_369 = arith.constant 0 : i32
        %dma_wait3A_370 = tpu.memref_slice %arg5[%dma_wait3A_368, %dma_wait3A_369] : memref<2x80xi32, #tpu.memory_space<vmem>> -> memref<1x80xi32, #tpu.memory_space<vmem>>
        %dma_wait3A_371 = tpu.memref_squeeze %dma_wait3A_370 : memref<1x80xi32, #tpu.memory_space<vmem>> -> memref<80xi32, #tpu.memory_space<vmem>>
        %dma_wait3A_372 = arith.constant 0 : i32
        %dma_wait3A_373 = tpu.memref_slice %arg3[%dma_wait3A_372] : memref<640000xi32, #tpu.memory_space<hbm>> -> memref<80xi32, #tpu.memory_space<hbm>>
        %dma_wait3A_374 = arith.constant 0 : i32
        %dma_wait3A_375 = tpu.memref_slice %arg5[%dma_wait3A_368, %dma_wait3A_374] : memref<2x80xi32, #tpu.memory_space<vmem>> -> memref<1x80xi32, #tpu.memory_space<vmem>>
        %dma_wait3A_376 = tpu.memref_squeeze %dma_wait3A_375 : memref<1x80xi32, #tpu.memory_space<vmem>> -> memref<80xi32, #tpu.memory_space<vmem>>
        %dma_wait3A_377 = arith.constant 0 : i32
        %dma_wait3A_378 = tpu.memref_slice %arg3[%dma_wait3A_377] : memref<640000xi32, #tpu.memory_space<hbm>> -> memref<80xi32, #tpu.memory_space<hbm>>
        tpu.wait_dma2 semaphore(%arg14 : memref<!tpu.dma_semaphore, #tpu.memory_space<semaphore_mem>>) src(%dma_wait3A_378 : memref<80xi32, #tpu.memory_space<hbm>>) dst(%dma_wait3A_376 : memref<80xi32, #tpu.memory_space<vmem>>)
        %dma_start3A_379 = arith.constant 0 : i32
        %dma_start3A_380 = arith.constant 0 : i32
        %dma_start3A_381 = tpu.memref_slice %arg5[%dma_start3A_379, %dma_start3A_380] : memref<2x80xi32, #tpu.memory_space<vmem>> -> memref<1x80xi32, #tpu.memory_space<vmem>>
        %dma_start3A_382 = tpu.memref_squeeze %dma_start3A_381 : memref<1x80xi32, #tpu.memory_space<vmem>> -> memref<80xi32, #tpu.memory_space<vmem>>
        %dma_start3A_383 = arith.constant 0 : i32
        %dma_start3A_384 = arith.constant 0 : i32
        %dma_start3A_385 = tpu.memref_slice %arg2[%dma_start3A_383, %dma_start3A_384] : memref<10000x128xf32, #tpu.memory_space<hbm>> -> memref<10000x128xf32, #tpu.memory_space<hbm>>
        tpu.enqueue_indirect_dma source(%dma_start3A_385 : memref<10000x128xf32, #tpu.memory_space<hbm>>) target(%arg9 : memref<80x128xf32, #tpu.memory_space<vmem>>) offsets(%dma_start3A_382 : memref<80xi32, #tpu.memory_space<vmem>>) semaphore(%arg18 : memref<!tpu.dma_semaphore, #tpu.memory_space<semaphore_mem>>)
      } else {
      }
      %dma_wait3A_292 = arith.constant 0 : i32
      %dma_wait3A_293 = arith.constant 0 : i32
      %dma_wait3A_294 = tpu.memref_slice %arg7[%dma_wait3A_292, %dma_wait3A_293] : memref<2x80xi32, #tpu.memory_space<vmem>> -> memref<1x80xi32, #tpu.memory_space<vmem>>
      %dma_wait3A_295 = tpu.memref_squeeze %dma_wait3A_294 : memref<1x80xi32, #tpu.memory_space<vmem>> -> memref<80xi32, #tpu.memory_space<vmem>>
      %dma_wait3A_296 = arith.constant 0 : i32
      %dma_wait3A_297 = arith.constant 0 : i32
      %dma_wait3A_298 = tpu.memref_slice %arg2[%dma_wait3A_296, %dma_wait3A_297] : memref<10000x128xf32, #tpu.memory_space<hbm>> -> memref<10000x128xf32, #tpu.memory_space<hbm>>
      tpu.wait_indirect_dma semaphore(%arg20 : memref<!tpu.dma_semaphore, #tpu.memory_space<semaphore_mem>>) src(%dma_wait3A_298 : memref<10000x128xf32, #tpu.memory_space<hbm>>) dst(%arg11 : memref<80x128xf32, #tpu.memory_space<vmem>>)
      %dma_start3A_299 = arith.constant 1 : i32
      %dma_start3A_300 = arith.constant 0 : i32
      %dma_start3A_301 = tpu.memref_slice %arg7[%dma_start3A_299, %dma_start3A_300] : memref<2x80xi32, #tpu.memory_space<vmem>> -> memref<1x80xi32, #tpu.memory_space<vmem>>
      %dma_start3A_302 = tpu.memref_squeeze %dma_start3A_301 : memref<1x80xi32, #tpu.memory_space<vmem>> -> memref<80xi32, #tpu.memory_space<vmem>>
      %dma_start3A_303 = arith.constant 0 : i32
      %dma_start3A_304 = arith.constant 0 : i32
      %dma_start3A_305 = tpu.memref_slice %arg13[%dma_start3A_303, %dma_start3A_304] : memref<10000x128xf32, #tpu.memory_space<vmem_shared>> -> memref<10000x128xf32, #tpu.memory_space<vmem_shared>>
      tpu.enqueue_indirect_dma source(%arg11 : memref<80x128xf32, #tpu.memory_space<vmem>>) target(%dma_start3A_305 : memref<10000x128xf32, #tpu.memory_space<vmem_shared>>) offsets(%dma_start3A_302 : memref<80xi32, #tpu.memory_space<vmem>>) semaphore(%arg24 : memref<!tpu.dma_semaphore, #tpu.memory_space<semaphore_mem>>) {add = true}
      %dma_wait3A_306 = arith.constant 1 : i32
      %dma_wait3A_307 = arith.constant 0 : i32
      %dma_wait3A_308 = tpu.memref_slice %arg7[%dma_wait3A_306, %dma_wait3A_307] : memref<2x80xi32, #tpu.memory_space<vmem>> -> memref<1x80xi32, #tpu.memory_space<vmem>>
      %dma_wait3A_309 = tpu.memref_squeeze %dma_wait3A_308 : memref<1x80xi32, #tpu.memory_space<vmem>> -> memref<80xi32, #tpu.memory_space<vmem>>
      %dma_wait3A_310 = arith.constant 0 : i32
      %dma_wait3A_311 = arith.constant 0 : i32
      %dma_wait3A_312 = tpu.memref_slice %arg13[%dma_wait3A_310, %dma_wait3A_311] : memref<10000x128xf32, #tpu.memory_space<vmem_shared>> -> memref<10000x128xf32, #tpu.memory_space<vmem_shared>>
      tpu.wait_indirect_dma semaphore(%arg24 : memref<!tpu.dma_semaphore, #tpu.memory_space<semaphore_mem>>) src(%arg11 : memref<80x128xf32, #tpu.memory_space<vmem>>) dst(%dma_wait3A_312 : memref<10000x128xf32, #tpu.memory_space<vmem_shared>>)
      %add3A_313 = arith.constant 4 : i32
      %add3A_314 = arith.addi %add3A_284, %add3A_313 : i32
      %lt3A_315 = arith.constant 125 : i32
      %lt3A_316 = arith.cmpi slt, %add3A_314, %lt3A_315 : i32
      %convert_element_type3A_317 = arith.extui %lt3A_316 : i1 to i32
      %cond3A_318 = arith.constant 0 : i32
      %cond3A_319 = arith.cmpi ne, %convert_element_type3A_317, %cond3A_318 : i32
      scf.if %cond3A_319 {
        %add3A_357 = arith.constant 4 : i32
        %add3A_358 = arith.addi %add3A_284, %add3A_357 : i32
        %mul3A_359 = arith.constant 10000 : i32
        %mul3A_360 = arith.muli %add3A, %mul3A_359 : i32
        %mul3A_361 = arith.constant 80 : i32
        %mul3A_362 = arith.muli %add3A_358, %mul3A_361 : i32
        %add3A_363 = arith.addi %mul3A_360, %mul3A_362 : i32
        %dma_start3A_364 = arith.constant 0 : i32
        %dma_start3A_365 = arith.constant 0 : i32
        %dma_start3A_366 = tpu.memref_slice %arg7[%dma_start3A_364, %dma_start3A_365] : memref<2x80xi32, #tpu.memory_space<vmem>> -> memref<1x80xi32, #tpu.memory_space<vmem>>
        %dma_start3A_367 = tpu.memref_squeeze %dma_start3A_366 : memref<1x80xi32, #tpu.memory_space<vmem>> -> memref<80xi32, #tpu.memory_space<vmem>>
        %dma_start3A_368 = tpu.memref_slice %arg3[%add3A_363] : memref<640000xi32, #tpu.memory_space<hbm>> -> memref<80xi32, #tpu.memory_space<hbm>>
        %dma_start3A_369 = arith.constant 0 : i32
        %dma_start3A_370 = tpu.memref_slice %arg7[%dma_start3A_364, %dma_start3A_369] : memref<2x80xi32, #tpu.memory_space<vmem>> -> memref<1x80xi32, #tpu.memory_space<vmem>>
        %dma_start3A_371 = tpu.memref_squeeze %dma_start3A_370 : memref<1x80xi32, #tpu.memory_space<vmem>> -> memref<80xi32, #tpu.memory_space<vmem>>
        %dma_start3A_372 = tpu.memref_slice %arg3[%add3A_363] : memref<640000xi32, #tpu.memory_space<hbm>> -> memref<80xi32, #tpu.memory_space<hbm>>
        tpu.enqueue_dma source(%dma_start3A_372 : memref<80xi32, #tpu.memory_space<hbm>>) target(%dma_start3A_371 : memref<80xi32, #tpu.memory_space<vmem>>) target_semaphore(%arg16 : memref<!tpu.dma_semaphore, #tpu.memory_space<semaphore_mem>>)
        %add3A_373 = arith.constant 320000 : i32
        %add3A_374 = arith.addi %add3A_373, %add3A_363 : i32
        %dma_start3A_375 = arith.constant 1 : i32
        %dma_start3A_376 = arith.constant 0 : i32
        %dma_start3A_377 = tpu.memref_slice %arg7[%dma_start3A_375, %dma_start3A_376] : memref<2x80xi32, #tpu.memory_space<vmem>> -> memref<1x80xi32, #tpu.memory_space<vmem>>
        %dma_start3A_378 = tpu.memref_squeeze %dma_start3A_377 : memref<1x80xi32, #tpu.memory_space<vmem>> -> memref<80xi32, #tpu.memory_space<vmem>>
        %dma_start3A_379 = tpu.memref_slice %arg3[%add3A_374] : memref<640000xi32, #tpu.memory_space<hbm>> -> memref<80xi32, #tpu.memory_space<hbm>>
        %dma_start3A_380 = arith.constant 0 : i32
        %dma_start3A_381 = tpu.memref_slice %arg7[%dma_start3A_375, %dma_start3A_380] : memref<2x80xi32, #tpu.memory_space<vmem>> -> memref<1x80xi32, #tpu.memory_space<vmem>>
        %dma_start3A_382 = tpu.memref_squeeze %dma_start3A_381 : memref<1x80xi32, #tpu.memory_space<vmem>> -> memref<80xi32, #tpu.memory_space<vmem>>
        %dma_start3A_383 = tpu.memref_slice %arg3[%add3A_374] : memref<640000xi32, #tpu.memory_space<hbm>> -> memref<80xi32, #tpu.memory_space<hbm>>
        tpu.enqueue_dma source(%dma_start3A_383 : memref<80xi32, #tpu.memory_space<hbm>>) target(%dma_start3A_382 : memref<80xi32, #tpu.memory_space<vmem>>) target_semaphore(%arg16 : memref<!tpu.dma_semaphore, #tpu.memory_space<semaphore_mem>>)
      } else {
      }
      %add3A_320 = arith.constant 3 : i32
      %add3A_321 = arith.addi %mul3A_209, %add3A_320 : i32
      %add3A_322 = arith.constant 2 : i32
      %add3A_323 = arith.addi %add3A_321, %add3A_322 : i32
      %lt3A_324 = arith.constant 125 : i32
      %lt3A_325 = arith.cmpi slt, %add3A_323, %lt3A_324 : i32
      %convert_element_type3A_326 = arith.extui %lt3A_325 : i1 to i32
      %cond3A_327 = arith.constant 0 : i32
      %cond3A_328 = arith.cmpi ne, %convert_element_type3A_326, %cond3A_327 : i32
      scf.if %cond3A_328 {
        %dma_wait3A_357 = arith.constant 0 : i32
        %dma_wait3A_358 = arith.constant 0 : i32
        %dma_wait3A_359 = tpu.memref_slice %arg6[%dma_wait3A_357, %dma_wait3A_358] : memref<2x80xi32, #tpu.memory_space<vmem>> -> memref<1x80xi32, #tpu.memory_space<vmem>>
        %dma_wait3A_360 = tpu.memref_squeeze %dma_wait3A_359 : memref<1x80xi32, #tpu.memory_space<vmem>> -> memref<80xi32, #tpu.memory_space<vmem>>
        %dma_wait3A_361 = arith.constant 0 : i32
        %dma_wait3A_362 = tpu.memref_slice %arg3[%dma_wait3A_361] : memref<640000xi32, #tpu.memory_space<hbm>> -> memref<80xi32, #tpu.memory_space<hbm>>
        %dma_wait3A_363 = arith.constant 0 : i32
        %dma_wait3A_364 = tpu.memref_slice %arg6[%dma_wait3A_357, %dma_wait3A_363] : memref<2x80xi32, #tpu.memory_space<vmem>> -> memref<1x80xi32, #tpu.memory_space<vmem>>
        %dma_wait3A_365 = tpu.memref_squeeze %dma_wait3A_364 : memref<1x80xi32, #tpu.memory_space<vmem>> -> memref<80xi32, #tpu.memory_space<vmem>>
        %dma_wait3A_366 = arith.constant 0 : i32
        %dma_wait3A_367 = tpu.memref_slice %arg3[%dma_wait3A_366] : memref<640000xi32, #tpu.memory_space<hbm>> -> memref<80xi32, #tpu.memory_space<hbm>>
        tpu.wait_dma2 semaphore(%arg15 : memref<!tpu.dma_semaphore, #tpu.memory_space<semaphore_mem>>) src(%dma_wait3A_367 : memref<80xi32, #tpu.memory_space<hbm>>) dst(%dma_wait3A_365 : memref<80xi32, #tpu.memory_space<vmem>>)
        %dma_wait3A_368 = arith.constant 1 : i32
        %dma_wait3A_369 = arith.constant 0 : i32
        %dma_wait3A_370 = tpu.memref_slice %arg6[%dma_wait3A_368, %dma_wait3A_369] : memref<2x80xi32, #tpu.memory_space<vmem>> -> memref<1x80xi32, #tpu.memory_space<vmem>>
        %dma_wait3A_371 = tpu.memref_squeeze %dma_wait3A_370 : memref<1x80xi32, #tpu.memory_space<vmem>> -> memref<80xi32, #tpu.memory_space<vmem>>
        %dma_wait3A_372 = arith.constant 0 : i32
        %dma_wait3A_373 = tpu.memref_slice %arg3[%dma_wait3A_372] : memref<640000xi32, #tpu.memory_space<hbm>> -> memref<80xi32, #tpu.memory_space<hbm>>
        %dma_wait3A_374 = arith.constant 0 : i32
        %dma_wait3A_375 = tpu.memref_slice %arg6[%dma_wait3A_368, %dma_wait3A_374] : memref<2x80xi32, #tpu.memory_space<vmem>> -> memref<1x80xi32, #tpu.memory_space<vmem>>
        %dma_wait3A_376 = tpu.memref_squeeze %dma_wait3A_375 : memref<1x80xi32, #tpu.memory_space<vmem>> -> memref<80xi32, #tpu.memory_space<vmem>>
        %dma_wait3A_377 = arith.constant 0 : i32
        %dma_wait3A_378 = tpu.memref_slice %arg3[%dma_wait3A_377] : memref<640000xi32, #tpu.memory_space<hbm>> -> memref<80xi32, #tpu.memory_space<hbm>>
        tpu.wait_dma2 semaphore(%arg15 : memref<!tpu.dma_semaphore, #tpu.memory_space<semaphore_mem>>) src(%dma_wait3A_378 : memref<80xi32, #tpu.memory_space<hbm>>) dst(%dma_wait3A_376 : memref<80xi32, #tpu.memory_space<vmem>>)
        %dma_start3A_379 = arith.constant 0 : i32
        %dma_start3A_380 = arith.constant 0 : i32
        %dma_start3A_381 = tpu.memref_slice %arg6[%dma_start3A_379, %dma_start3A_380] : memref<2x80xi32, #tpu.memory_space<vmem>> -> memref<1x80xi32, #tpu.memory_space<vmem>>
        %dma_start3A_382 = tpu.memref_squeeze %dma_start3A_381 : memref<1x80xi32, #tpu.memory_space<vmem>> -> memref<80xi32, #tpu.memory_space<vmem>>
        %dma_start3A_383 = arith.constant 0 : i32
        %dma_start3A_384 = arith.constant 0 : i32
        %dma_start3A_385 = tpu.memref_slice %arg2[%dma_start3A_383, %dma_start3A_384] : memref<10000x128xf32, #tpu.memory_space<hbm>> -> memref<10000x128xf32, #tpu.memory_space<hbm>>
        tpu.enqueue_indirect_dma source(%dma_start3A_385 : memref<10000x128xf32, #tpu.memory_space<hbm>>) target(%arg10 : memref<80x128xf32, #tpu.memory_space<vmem>>) offsets(%dma_start3A_382 : memref<80xi32, #tpu.memory_space<vmem>>) semaphore(%arg19 : memref<!tpu.dma_semaphore, #tpu.memory_space<semaphore_mem>>)
      } else {
      }
      %dma_wait3A_329 = arith.constant 0 : i32
      %dma_wait3A_330 = arith.constant 0 : i32
      %dma_wait3A_331 = tpu.memref_slice %arg8[%dma_wait3A_329, %dma_wait3A_330] : memref<2x80xi32, #tpu.memory_space<vmem>> -> memref<1x80xi32, #tpu.memory_space<vmem>>
      %dma_wait3A_332 = tpu.memref_squeeze %dma_wait3A_331 : memref<1x80xi32, #tpu.memory_space<vmem>> -> memref<80xi32, #tpu.memory_space<vmem>>
      %dma_wait3A_333 = arith.constant 0 : i32
      %dma_wait3A_334 = arith.constant 0 : i32
      %dma_wait3A_335 = tpu.memref_slice %arg2[%dma_wait3A_333, %dma_wait3A_334] : memref<10000x128xf32, #tpu.memory_space<hbm>> -> memref<10000x128xf32, #tpu.memory_space<hbm>>
      tpu.wait_indirect_dma semaphore(%arg21 : memref<!tpu.dma_semaphore, #tpu.memory_space<semaphore_mem>>) src(%dma_wait3A_335 : memref<10000x128xf32, #tpu.memory_space<hbm>>) dst(%arg12 : memref<80x128xf32, #tpu.memory_space<vmem>>)
      %dma_start3A_336 = arith.constant 1 : i32
      %dma_start3A_337 = arith.constant 0 : i32
      %dma_start3A_338 = tpu.memref_slice %arg8[%dma_start3A_336, %dma_start3A_337] : memref<2x80xi32, #tpu.memory_space<vmem>> -> memref<1x80xi32, #tpu.memory_space<vmem>>
      %dma_start3A_339 = tpu.memref_squeeze %dma_start3A_338 : memref<1x80xi32, #tpu.memory_space<vmem>> -> memref<80xi32, #tpu.memory_space<vmem>>
      %dma_start3A_340 = arith.constant 0 : i32
      %dma_start3A_341 = arith.constant 0 : i32
      %dma_start3A_342 = tpu.memref_slice %arg13[%dma_start3A_340, %dma_start3A_341] : memref<10000x128xf32, #tpu.memory_space<vmem_shared>> -> memref<10000x128xf32, #tpu.memory_space<vmem_shared>>
      tpu.enqueue_indirect_dma source(%arg12 : memref<80x128xf32, #tpu.memory_space<vmem>>) target(%dma_start3A_342 : memref<10000x128xf32, #tpu.memory_space<vmem_shared>>) offsets(%dma_start3A_339 : memref<80xi32, #tpu.memory_space<vmem>>) semaphore(%arg25 : memref<!tpu.dma_semaphore, #tpu.memory_space<semaphore_mem>>) {add = true}
      %dma_wait3A_343 = arith.constant 1 : i32
      %dma_wait3A_344 = arith.constant 0 : i32
      %dma_wait3A_345 = tpu.memref_slice %arg8[%dma_wait3A_343, %dma_wait3A_344] : memref<2x80xi32, #tpu.memory_space<vmem>> -> memref<1x80xi32, #tpu.memory_space<vmem>>
      %dma_wait3A_346 = tpu.memref_squeeze %dma_wait3A_345 : memref<1x80xi32, #tpu.memory_space<vmem>> -> memref<80xi32, #tpu.memory_space<vmem>>
      %dma_wait3A_347 = arith.constant 0 : i32
      %dma_wait3A_348 = arith.constant 0 : i32
      %dma_wait3A_349 = tpu.memref_slice %arg13[%dma_wait3A_347, %dma_wait3A_348] : memref<10000x128xf32, #tpu.memory_space<vmem_shared>> -> memref<10000x128xf32, #tpu.memory_space<vmem_shared>>
      tpu.wait_indirect_dma semaphore(%arg25 : memref<!tpu.dma_semaphore, #tpu.memory_space<semaphore_mem>>) src(%arg12 : memref<80x128xf32, #tpu.memory_space<vmem>>) dst(%dma_wait3A_349 : memref<10000x128xf32, #tpu.memory_space<vmem_shared>>)
      %add3A_350 = arith.constant 4 : i32
      %add3A_351 = arith.addi %add3A_321, %add3A_350 : i32
      %lt3A_352 = arith.constant 125 : i32
      %lt3A_353 = arith.cmpi slt, %add3A_351, %lt3A_352 : i32
      %convert_element_type3A_354 = arith.extui %lt3A_353 : i1 to i32
      %cond3A_355 = arith.constant 0 : i32
      %cond3A_356 = arith.cmpi ne, %convert_element_type3A_354, %cond3A_355 : i32
      scf.if %cond3A_356 {
        %add3A_357 = arith.constant 4 : i32
        %add3A_358 = arith.addi %add3A_321, %add3A_357 : i32
        %mul3A_359 = arith.constant 10000 : i32
        %mul3A_360 = arith.muli %add3A, %mul3A_359 : i32
        %mul3A_361 = arith.constant 80 : i32
        %mul3A_362 = arith.muli %add3A_358, %mul3A_361 : i32
        %add3A_363 = arith.addi %mul3A_360, %mul3A_362 : i32
        %dma_start3A_364 = arith.constant 0 : i32
        %dma_start3A_365 = arith.constant 0 : i32
        %dma_start3A_366 = tpu.memref_slice %arg8[%dma_start3A_364, %dma_start3A_365] : memref<2x80xi32, #tpu.memory_space<vmem>> -> memref<1x80xi32, #tpu.memory_space<vmem>>
        %dma_start3A_367 = tpu.memref_squeeze %dma_start3A_366 : memref<1x80xi32, #tpu.memory_space<vmem>> -> memref<80xi32, #tpu.memory_space<vmem>>
        %dma_start3A_368 = tpu.memref_slice %arg3[%add3A_363] : memref<640000xi32, #tpu.memory_space<hbm>> -> memref<80xi32, #tpu.memory_space<hbm>>
        %dma_start3A_369 = arith.constant 0 : i32
        %dma_start3A_370 = tpu.memref_slice %arg8[%dma_start3A_364, %dma_start3A_369] : memref<2x80xi32, #tpu.memory_space<vmem>> -> memref<1x80xi32, #tpu.memory_space<vmem>>
        %dma_start3A_371 = tpu.memref_squeeze %dma_start3A_370 : memref<1x80xi32, #tpu.memory_space<vmem>> -> memref<80xi32, #tpu.memory_space<vmem>>
        %dma_start3A_372 = tpu.memref_slice %arg3[%add3A_363] : memref<640000xi32, #tpu.memory_space<hbm>> -> memref<80xi32, #tpu.memory_space<hbm>>
        tpu.enqueue_dma source(%dma_start3A_372 : memref<80xi32, #tpu.memory_space<hbm>>) target(%dma_start3A_371 : memref<80xi32, #tpu.memory_space<vmem>>) target_semaphore(%arg17 : memref<!tpu.dma_semaphore, #tpu.memory_space<semaphore_mem>>)
        %add3A_373 = arith.constant 320000 : i32
        %add3A_374 = arith.addi %add3A_373, %add3A_363 : i32
        %dma_start3A_375 = arith.constant 1 : i32
        %dma_start3A_376 = arith.constant 0 : i32
        %dma_start3A_377 = tpu.memref_slice %arg8[%dma_start3A_375, %dma_start3A_376] : memref<2x80xi32, #tpu.memory_space<vmem>> -> memref<1x80xi32, #tpu.memory_space<vmem>>
        %dma_start3A_378 = tpu.memref_squeeze %dma_start3A_377 : memref<1x80xi32, #tpu.memory_space<vmem>> -> memref<80xi32, #tpu.memory_space<vmem>>
        %dma_start3A_379 = tpu.memref_slice %arg3[%add3A_374] : memref<640000xi32, #tpu.memory_space<hbm>> -> memref<80xi32, #tpu.memory_space<hbm>>
        %dma_start3A_380 = arith.constant 0 : i32
        %dma_start3A_381 = tpu.memref_slice %arg8[%dma_start3A_375, %dma_start3A_380] : memref<2x80xi32, #tpu.memory_space<vmem>> -> memref<1x80xi32, #tpu.memory_space<vmem>>
        %dma_start3A_382 = tpu.memref_squeeze %dma_start3A_381 : memref<1x80xi32, #tpu.memory_space<vmem>> -> memref<80xi32, #tpu.memory_space<vmem>>
        %dma_start3A_383 = tpu.memref_slice %arg3[%add3A_374] : memref<640000xi32, #tpu.memory_space<hbm>> -> memref<80xi32, #tpu.memory_space<hbm>>
        tpu.enqueue_dma source(%dma_start3A_383 : memref<80xi32, #tpu.memory_space<hbm>>) target(%dma_start3A_382 : memref<80xi32, #tpu.memory_space<vmem>>) target_semaphore(%arg17 : memref<!tpu.dma_semaphore, #tpu.memory_space<semaphore_mem>>)
      } else {
      }
    }
    %scan3A_169 = arith.constant 31 : i32
    %dma_wait3A_170 = arith.constant 0 : i32
    %dma_wait3A_171 = arith.constant 0 : i32
    %dma_wait3A_172 = tpu.memref_slice %arg5[%dma_wait3A_170, %dma_wait3A_171] : memref<2x80xi32, #tpu.memory_space<vmem>> -> memref<1x80xi32, #tpu.memory_space<vmem>>
    %dma_wait3A_173 = tpu.memref_squeeze %dma_wait3A_172 : memref<1x80xi32, #tpu.memory_space<vmem>> -> memref<80xi32, #tpu.memory_space<vmem>>
    %dma_wait3A_174 = arith.constant 0 : i32
    %dma_wait3A_175 = arith.constant 0 : i32
    %dma_wait3A_176 = tpu.memref_slice %arg2[%dma_wait3A_174, %dma_wait3A_175] : memref<10000x128xf32, #tpu.memory_space<hbm>> -> memref<10000x128xf32, #tpu.memory_space<hbm>>
    tpu.wait_indirect_dma semaphore(%arg18 : memref<!tpu.dma_semaphore, #tpu.memory_space<semaphore_mem>>) src(%dma_wait3A_176 : memref<10000x128xf32, #tpu.memory_space<hbm>>) dst(%arg9 : memref<80x128xf32, #tpu.memory_space<vmem>>)
    %dma_start3A_177 = arith.constant 1 : i32
    %dma_start3A_178 = arith.constant 0 : i32
    %dma_start3A_179 = tpu.memref_slice %arg5[%dma_start3A_177, %dma_start3A_178] : memref<2x80xi32, #tpu.memory_space<vmem>> -> memref<1x80xi32, #tpu.memory_space<vmem>>
    %dma_start3A_180 = tpu.memref_squeeze %dma_start3A_179 : memref<1x80xi32, #tpu.memory_space<vmem>> -> memref<80xi32, #tpu.memory_space<vmem>>
    %dma_start3A_181 = arith.constant 0 : i32
    %dma_start3A_182 = arith.constant 0 : i32
    %dma_start3A_183 = tpu.memref_slice %arg13[%dma_start3A_181, %dma_start3A_182] : memref<10000x128xf32, #tpu.memory_space<vmem_shared>> -> memref<10000x128xf32, #tpu.memory_space<vmem_shared>>
    tpu.enqueue_indirect_dma source(%arg9 : memref<80x128xf32, #tpu.memory_space<vmem>>) target(%dma_start3A_183 : memref<10000x128xf32, #tpu.memory_space<vmem_shared>>) offsets(%dma_start3A_180 : memref<80xi32, #tpu.memory_space<vmem>>) semaphore(%arg22 : memref<!tpu.dma_semaphore, #tpu.memory_space<semaphore_mem>>) {add = true}
    %dma_wait3A_184 = arith.constant 1 : i32
    %dma_wait3A_185 = arith.constant 0 : i32
    %dma_wait3A_186 = tpu.memref_slice %arg5[%dma_wait3A_184, %dma_wait3A_185] : memref<2x80xi32, #tpu.memory_space<vmem>> -> memref<1x80xi32, #tpu.memory_space<vmem>>
    %dma_wait3A_187 = tpu.memref_squeeze %dma_wait3A_186 : memref<1x80xi32, #tpu.memory_space<vmem>> -> memref<80xi32, #tpu.memory_space<vmem>>
    %dma_wait3A_188 = arith.constant 0 : i32
    %dma_wait3A_189 = arith.constant 0 : i32
    %dma_wait3A_190 = tpu.memref_slice %arg13[%dma_wait3A_188, %dma_wait3A_189] : memref<10000x128xf32, #tpu.memory_space<vmem_shared>> -> memref<10000x128xf32, #tpu.memory_space<vmem_shared>>
    tpu.wait_indirect_dma semaphore(%arg22 : memref<!tpu.dma_semaphore, #tpu.memory_space<semaphore_mem>>) src(%arg9 : memref<80x128xf32, #tpu.memory_space<vmem>>) dst(%dma_wait3A_190 : memref<10000x128xf32, #tpu.memory_space<vmem_shared>>)
    %barrier3A_191 = arith.constant 0 : index
    tpu.barrier barrier_id(%barrier3A_191)
    %dma_start3A_192 = arith.constant 0 : i32
    %dma_start3A_193 = tpu.memref_slice %arg4[%arg0, %mul3A_2, %dma_start3A_192] : memref<2x10000x128xf32, #tpu.memory_space<hbm>> -> memref<1x624x128xf32, #tpu.memory_space<hbm>>
    %dma_start3A_194 = tpu.memref_squeeze %dma_start3A_193 : memref<1x624x128xf32, #tpu.memory_space<hbm>> -> memref<624x128xf32, #tpu.memory_space<hbm>>
    %dma_start3A_195 = arith.constant 0 : i32
    %dma_start3A_196 = tpu.memref_slice %arg13[%mul3A_2, %dma_start3A_195] : memref<10000x128xf32, #tpu.memory_space<vmem_shared>> -> memref<624x128xf32, #tpu.memory_space<vmem_shared>>
    tpu.enqueue_dma source(%dma_start3A_196 : memref<624x128xf32, #tpu.memory_space<vmem_shared>>) target(%dma_start3A_194 : memref<624x128xf32, #tpu.memory_space<hbm>>) target_semaphore(%arg26 : memref<!tpu.dma_semaphore, #tpu.memory_space<semaphore_mem>>)
    %dma_wait3A_197 = arith.constant 0 : i32
    %dma_wait3A_198 = tpu.memref_slice %arg4[%arg0, %mul3A_2, %dma_wait3A_197] : memref<2x10000x128xf32, #tpu.memory_space<hbm>> -> memref<1x624x128xf32, #tpu.memory_space<hbm>>
    %dma_wait3A_199 = tpu.memref_squeeze %dma_wait3A_198 : memref<1x624x128xf32, #tpu.memory_space<hbm>> -> memref<624x128xf32, #tpu.memory_space<hbm>>
    %dma_wait3A_200 = arith.constant 0 : i32
    %dma_wait3A_201 = tpu.memref_slice %arg13[%mul3A_2, %dma_wait3A_200] : memref<10000x128xf32, #tpu.memory_space<vmem_shared>> -> memref<624x128xf32, #tpu.memory_space<vmem_shared>>
    tpu.wait_dma2 semaphore(%arg26 : memref<!tpu.dma_semaphore, #tpu.memory_space<semaphore_mem>>) src(%dma_wait3A_201 : memref<624x128xf32, #tpu.memory_space<vmem_shared>>) dst(%dma_wait3A_199 : memref<624x128xf32, #tpu.memory_space<hbm>>)
    %eq3A_202 = arith.constant 0 : i32
    %eq3A_203 = arith.cmpi eq, %arg1, %eq3A_202 : i32
    %convert_element_type3A_204 = arith.extui %eq3A_203 : i1 to i32
    %cond3A_205 = arith.constant 0 : i32
    %cond3A_206 = arith.cmpi ne, %convert_element_type3A_204, %cond3A_205 : i32
    scf.if %cond3A_206 {
      %dma_start3A_207 = arith.constant 9984 : i32
      %dma_start3A_208 = arith.constant 0 : i32
      %dma_start3A_209 = tpu.memref_slice %arg4[%arg0, %dma_start3A_207, %dma_start3A_208] : memref<2x10000x128xf32, #tpu.memory_space<hbm>> -> memref<1x16x128xf32, #tpu.memory_space<hbm>>
      %dma_start3A_210 = tpu.memref_squeeze %dma_start3A_209 : memref<1x16x128xf32, #tpu.memory_space<hbm>> -> memref<16x128xf32, #tpu.memory_space<hbm>>
      %dma_start3A_211 = arith.constant 9984 : i32
      %dma_start3A_212 = arith.constant 0 : i32
      %dma_start3A_213 = tpu.memref_slice %arg13[%dma_start3A_211, %dma_start3A_212] : memref<10000x128xf32, #tpu.memory_space<vmem_shared>> -> memref<16x128xf32, #tpu.memory_space<vmem_shared>>
      tpu.enqueue_dma source(%dma_start3A_213 : memref<16x128xf32, #tpu.memory_space<vmem_shared>>) target(%dma_start3A_210 : memref<16x128xf32, #tpu.memory_space<hbm>>) target_semaphore(%arg26 : memref<!tpu.dma_semaphore, #tpu.memory_space<semaphore_mem>>)
      %dma_wait3A_214 = arith.constant 9984 : i32
      %dma_wait3A_215 = arith.constant 0 : i32
      %dma_wait3A_216 = tpu.memref_slice %arg4[%arg0, %dma_wait3A_214, %dma_wait3A_215] : memref<2x10000x128xf32, #tpu.memory_space<hbm>> -> memref<1x16x128xf32, #tpu.memory_space<hbm>>
      %dma_wait3A_217 = tpu.memref_squeeze %dma_wait3A_216 : memref<1x16x128xf32, #tpu.memory_space<hbm>> -> memref<16x128xf32, #tpu.memory_space<hbm>>
      %dma_wait3A_218 = arith.constant 9984 : i32
      %dma_wait3A_219 = arith.constant 0 : i32
      %dma_wait3A_220 = tpu.memref_slice %arg13[%dma_wait3A_218, %dma_wait3A_219] : memref<10000x128xf32, #tpu.memory_space<vmem_shared>> -> memref<16x128xf32, #tpu.memory_space<vmem_shared>>
      tpu.wait_dma2 semaphore(%arg26 : memref<!tpu.dma_semaphore, #tpu.memory_space<semaphore_mem>>) src(%dma_wait3A_220 : memref<16x128xf32, #tpu.memory_space<vmem_shared>>) dst(%dma_wait3A_217 : memref<16x128xf32, #tpu.memory_space<hbm>>)
    } else {
    }
    return
  }
}

module attributes {stable_mosaic.version = 14 : i64} {
  func.func @_tc_body(%arg0: i32, %arg1: i32, %arg2: memref<2000x128xf32, #tpu.memory_space<vmem>>, %arg3: memref<2x2000x128xf32, #tpu.memory_space<vmem>>, %arg4: memref<2000x1xi32, #tpu.memory_space<vmem>>, %arg5: memref<1x1xf32, #tpu.memory_space<smem>>, %arg6: memref<128x128xf32, #tpu.memory_space<vmem>>, %arg7: memref<1x128xf32, #tpu.memory_space<vmem>>, %arg8: memref<1x128xf32, #tpu.memory_space<vmem>>, %arg9: memref<1x128xf32, #tpu.memory_space<vmem>>, %arg10: memref<128x128xf32, #tpu.memory_space<vmem>>, %arg11: memref<1x128xf32, #tpu.memory_space<vmem>>, %arg12: memref<1x128xf32, #tpu.memory_space<vmem>>, %arg13: memref<1x128xf32, #tpu.memory_space<vmem>>, %arg14: memref<128x128xf32, #tpu.memory_space<vmem>>, %arg15: memref<1x128xf32, #tpu.memory_space<vmem>>, %arg16: memref<1x128xf32, #tpu.memory_space<vmem>>, %arg17: memref<1x128xf32, #tpu.memory_space<vmem>>, %arg18: memref<2000x128xf32, #tpu.memory_space<vmem>>, %arg19: memref<10000x128xf32, #tpu.memory_space<vmem>>, %arg20: memref<16x128xf32, #tpu.memory_space<vmem>>) attributes {dimension_semantics = [#tpu.dimension_semantics<arbitrary>, #tpu.dimension_semantics<arbitrary>], iteration_bounds = array<i64: 2, 5>, scalar_prefetch = 0 : i64, scratch_operands = 2 : i64, tpu.core_type = #tpu.core_type<tc>, window_params = [{transform_indices = @transform_0, window_bounds = array<i64: 2000, 128>}, {transform_indices = @transform_1, window_bounds = array<i64: 2, 2000, 128>}, {transform_indices = @transform_2, window_bounds = array<i64: 2000, 1>}, {transform_indices = @transform_3, window_bounds = array<i64: 1, 1>}, {pipeline_mode = #tpu.pipeline_mode<synchronous>, transform_indices = @transform_4, window_bounds = array<i64: 128, 128>}, {pipeline_mode = #tpu.pipeline_mode<synchronous>, transform_indices = @transform_5, window_bounds = array<i64: 1, 128>}, {pipeline_mode = #tpu.pipeline_mode<synchronous>, transform_indices = @transform_6, window_bounds = array<i64: 1, 128>}, {pipeline_mode = #tpu.pipeline_mode<synchronous>, transform_indices = @transform_7, window_bounds = array<i64: 1, 128>}, {pipeline_mode = #tpu.pipeline_mode<synchronous>, transform_indices = @transform_8, window_bounds = array<i64: 128, 128>}, {pipeline_mode = #tpu.pipeline_mode<synchronous>, transform_indices = @transform_9, window_bounds = array<i64: 1, 128>}, {pipeline_mode = #tpu.pipeline_mode<synchronous>, transform_indices = @transform_10, window_bounds = array<i64: 1, 128>}, {pipeline_mode = #tpu.pipeline_mode<synchronous>, transform_indices = @transform_11, window_bounds = array<i64: 1, 128>}, {pipeline_mode = #tpu.pipeline_mode<synchronous>, transform_indices = @transform_12, window_bounds = array<i64: 128, 128>}, {pipeline_mode = #tpu.pipeline_mode<synchronous>, transform_indices = @transform_13, window_bounds = array<i64: 1, 128>}, {pipeline_mode = #tpu.pipeline_mode<synchronous>, transform_indices = @transform_14, window_bounds = array<i64: 1, 128>}, {pipeline_mode = #tpu.pipeline_mode<synchronous>, transform_indices = @transform_15, window_bounds = array<i64: 1, 128>}, {transform_indices = @transform_16, window_bounds = array<i64: 2000, 128>}]} {
    %get3A = arith.constant 0 : index
    %get3A_0 = arith.constant 0 : index
    %get3A_1 = vector.load %arg4[%get3A, %get3A_0] : memref<2000x1xi32, #tpu.memory_space<vmem>>, vector<2000x1xi32>
    %iota3A = tpu.iota {dimensions = array<i32: 1>} : vector<2000x16xi32>
    %eq3A = vector.broadcast %get3A_1 : vector<2000x1xi32> to vector<2000x16xi32>
    %eq3A_2 = arith.cmpi eq, %eq3A, %iota3A : vector<2000x16xi32>
    %convert_element_type3A = arith.extui %eq3A_2 : vector<2000x16xi1> to vector<2000x16xi32>
    %convert_element_type3A_3 = arith.sitofp %convert_element_type3A : vector<2000x16xi32> to vector<2000x16xf32>
    %eq3A_4 = arith.constant 0 : i32
    %eq3A_5 = arith.cmpi eq, %arg0, %eq3A_4 : i32
    %convert_element_type3A_6 = arith.extui %eq3A_5 : i1 to i32
    %cond3A = arith.constant 0 : i32
    %cond3A_7 = arith.cmpi ne, %convert_element_type3A_6, %cond3A : i32
    scf.if %cond3A_7 {
      %get3A_13 = arith.constant 0 : index
      %get3A_14 = arith.constant 0 : index
      %get3A_15 = memref.load %arg5[%get3A_13, %get3A_14] : memref<1x1xf32, #tpu.memory_space<smem>>
      %get3A_16 = arith.constant 0 : index
      %get3A_17 = arith.constant 0 : index
      %get3A_18 = vector.load %arg2[%get3A_16, %get3A_17] : memref<2000x128xf32, #tpu.memory_space<vmem>>, vector<2000x128xf32>
      %mul3A = vector.broadcast %get3A_15 : f32 to vector<2000x128xf32>
      %mul3A_19 = arith.mulf %mul3A, %get3A_18 : vector<2000x128xf32>
      %get3A_20 = arith.constant 0 : index
      %get3A_21 = arith.constant 0 : index
      %get3A_22 = arith.constant 0 : index
      %get3A_23 = vector.load %arg3[%get3A_20, %get3A_21, %get3A_22] : memref<2x2000x128xf32, #tpu.memory_space<vmem>>, vector<1x2000x128xf32>
      %get3A_24 = vector.shape_cast %get3A_23 : vector<1x2000x128xf32> to vector<2000x128xf32>
      %add3A = arith.addf %mul3A_19, %get3A_24 : vector<2000x128xf32>
      %get3A_25 = arith.constant 1 : index
      %get3A_26 = arith.constant 0 : index
      %get3A_27 = arith.constant 0 : index
      %get3A_28 = vector.load %arg3[%get3A_25, %get3A_26, %get3A_27] : memref<2x2000x128xf32, #tpu.memory_space<vmem>>, vector<1x2000x128xf32>
      %get3A_29 = vector.shape_cast %get3A_28 : vector<1x2000x128xf32> to vector<2000x128xf32>
      %add3A_30 = arith.addf %add3A, %get3A_29 : vector<2000x128xf32>
      %get3A_31 = arith.constant 0 : index
      %get3A_32 = arith.constant 0 : index
      %get3A_33 = vector.load %arg6[%get3A_31, %get3A_32] : memref<128x128xf32, #tpu.memory_space<vmem>>, vector<128x128xf32>
      %dot_general3A = arith.constant dense<0.000000e+00> : vector<2000x128xf32>
      %dot_general3A_34 = tpu.matmul %add3A_30, %get3A_33, %dot_general3A {dimension_numbers = #tpu.dot_dimension_numbers<[1], [0], [0], [1], [0, 0, 1, 1], [], []>, transpose_lhs_hint = false} : vector<2000x128xf32>, vector<128x128xf32>, vector<2000x128xf32> -> vector<2000x128xf32>
      %get3A_35 = arith.constant 0 : index
      %get3A_36 = arith.constant 0 : index
      %get3A_37 = vector.load %arg7[%get3A_35, %get3A_36] : memref<1x128xf32, #tpu.memory_space<vmem>>, vector<1x128xf32>
      %add3A_38 = vector.broadcast %get3A_37 : vector<1x128xf32> to vector<2000x128xf32>
      %add3A_39 = arith.addf %dot_general3A_34, %add3A_38 : vector<2000x128xf32>
      %get3A_40 = arith.constant 0 : index
      %get3A_41 = arith.constant 0 : index
      %get3A_42 = vector.load %arg8[%get3A_40, %get3A_41] : memref<1x128xf32, #tpu.memory_space<vmem>>, vector<1x128xf32>
      %get3A_43 = arith.constant 0 : index
      %get3A_44 = arith.constant 0 : index
      %get3A_45 = vector.load %arg9[%get3A_43, %get3A_44] : memref<1x128xf32, #tpu.memory_space<vmem>>, vector<1x128xf32>
      %reduce_sum3A = arith.constant dense<0.000000e+00> : vector<2000xf32>
      %reduce_sum3A_46 = vector.multi_reduction <add>, %add3A_39, %reduce_sum3A [1] : vector<2000x128xf32> to vector<2000xf32>
      %broadcast_in_dim3A = vector.shape_cast %reduce_sum3A_46 : vector<2000xf32> to vector<2000x1xf32>
      %div3A = arith.constant 1.280000e+02 : f32
      %div3A_47 = vector.broadcast %div3A : f32 to vector<2000x1xf32>
      %div3A_48 = arith.divf %broadcast_in_dim3A, %div3A_47 : vector<2000x1xf32>
      %sub3A = vector.broadcast %div3A_48 : vector<2000x1xf32> to vector<2000x128xf32>
      %sub3A_49 = arith.subf %add3A_39, %sub3A : vector<2000x128xf32>
      %mul3A_50 = arith.mulf %sub3A_49, %sub3A_49 : vector<2000x128xf32>
      %reduce_sum3A_51 = arith.constant dense<0.000000e+00> : vector<2000xf32>
      %reduce_sum3A_52 = vector.multi_reduction <add>, %mul3A_50, %reduce_sum3A_51 [1] : vector<2000x128xf32> to vector<2000xf32>
      %broadcast_in_dim3A_53 = vector.shape_cast %reduce_sum3A_52 : vector<2000xf32> to vector<2000x1xf32>
      %div3A_54 = arith.constant 1.280000e+02 : f32
      %div3A_55 = vector.broadcast %div3A_54 : f32 to vector<2000x1xf32>
      %div3A_56 = arith.divf %broadcast_in_dim3A_53, %div3A_55 : vector<2000x1xf32>
      %add3A_57 = arith.constant 9.99999974E-6 : f32
      %add3A_58 = vector.broadcast %add3A_57 : f32 to vector<2000x1xf32>
      %add3A_59 = arith.addf %div3A_56, %add3A_58 : vector<2000x1xf32>
      %rsqrt3A = math.rsqrt %add3A_59 : vector<2000x1xf32>
      %mul3A_60 = vector.broadcast %rsqrt3A : vector<2000x1xf32> to vector<2000x128xf32>
      %mul3A_61 = arith.mulf %sub3A_49, %mul3A_60 : vector<2000x128xf32>
      %mul3A_62 = vector.broadcast %get3A_42 : vector<1x128xf32> to vector<2000x128xf32>
      %mul3A_63 = arith.mulf %mul3A_61, %mul3A_62 : vector<2000x128xf32>
      %add3A_64 = vector.broadcast %get3A_45 : vector<1x128xf32> to vector<2000x128xf32>
      %add3A_65 = arith.addf %mul3A_63, %add3A_64 : vector<2000x128xf32>
      %max3A = arith.constant 0.000000e+00 : f32
      %max3A_66 = vector.broadcast %max3A : f32 to vector<2000x128xf32>
      %max3A_67 = arith.maximumf %add3A_65, %max3A_66 : vector<2000x128xf32>
      %get3A_68 = arith.constant 0 : index
      %get3A_69 = arith.constant 0 : index
      %get3A_70 = vector.load %arg10[%get3A_68, %get3A_69] : memref<128x128xf32, #tpu.memory_space<vmem>>, vector<128x128xf32>
      %dot_general3A_71 = arith.constant dense<0.000000e+00> : vector<2000x128xf32>
      %dot_general3A_72 = tpu.matmul %max3A_67, %get3A_70, %dot_general3A_71 {dimension_numbers = #tpu.dot_dimension_numbers<[1], [0], [0], [1], [0, 0, 1, 1], [], []>, transpose_lhs_hint = false} : vector<2000x128xf32>, vector<128x128xf32>, vector<2000x128xf32> -> vector<2000x128xf32>
      %get3A_73 = arith.constant 0 : index
      %get3A_74 = arith.constant 0 : index
      %get3A_75 = vector.load %arg11[%get3A_73, %get3A_74] : memref<1x128xf32, #tpu.memory_space<vmem>>, vector<1x128xf32>
      %add3A_76 = vector.broadcast %get3A_75 : vector<1x128xf32> to vector<2000x128xf32>
      %add3A_77 = arith.addf %dot_general3A_72, %add3A_76 : vector<2000x128xf32>
      %get3A_78 = arith.constant 0 : index
      %get3A_79 = arith.constant 0 : index
      %get3A_80 = vector.load %arg12[%get3A_78, %get3A_79] : memref<1x128xf32, #tpu.memory_space<vmem>>, vector<1x128xf32>
      %get3A_81 = arith.constant 0 : index
      %get3A_82 = arith.constant 0 : index
      %get3A_83 = vector.load %arg13[%get3A_81, %get3A_82] : memref<1x128xf32, #tpu.memory_space<vmem>>, vector<1x128xf32>
      %reduce_sum3A_84 = arith.constant dense<0.000000e+00> : vector<2000xf32>
      %reduce_sum3A_85 = vector.multi_reduction <add>, %add3A_77, %reduce_sum3A_84 [1] : vector<2000x128xf32> to vector<2000xf32>
      %broadcast_in_dim3A_86 = vector.shape_cast %reduce_sum3A_85 : vector<2000xf32> to vector<2000x1xf32>
      %div3A_87 = arith.constant 1.280000e+02 : f32
      %div3A_88 = vector.broadcast %div3A_87 : f32 to vector<2000x1xf32>
      %div3A_89 = arith.divf %broadcast_in_dim3A_86, %div3A_88 : vector<2000x1xf32>
      %sub3A_90 = vector.broadcast %div3A_89 : vector<2000x1xf32> to vector<2000x128xf32>
      %sub3A_91 = arith.subf %add3A_77, %sub3A_90 : vector<2000x128xf32>
      %mul3A_92 = arith.mulf %sub3A_91, %sub3A_91 : vector<2000x128xf32>
      %reduce_sum3A_93 = arith.constant dense<0.000000e+00> : vector<2000xf32>
      %reduce_sum3A_94 = vector.multi_reduction <add>, %mul3A_92, %reduce_sum3A_93 [1] : vector<2000x128xf32> to vector<2000xf32>
      %broadcast_in_dim3A_95 = vector.shape_cast %reduce_sum3A_94 : vector<2000xf32> to vector<2000x1xf32>
      %div3A_96 = arith.constant 1.280000e+02 : f32
      %div3A_97 = vector.broadcast %div3A_96 : f32 to vector<2000x1xf32>
      %div3A_98 = arith.divf %broadcast_in_dim3A_95, %div3A_97 : vector<2000x1xf32>
      %add3A_99 = arith.constant 9.99999974E-6 : f32
      %add3A_100 = vector.broadcast %add3A_99 : f32 to vector<2000x1xf32>
      %add3A_101 = arith.addf %div3A_98, %add3A_100 : vector<2000x1xf32>
      %rsqrt3A_102 = math.rsqrt %add3A_101 : vector<2000x1xf32>
      %mul3A_103 = vector.broadcast %rsqrt3A_102 : vector<2000x1xf32> to vector<2000x128xf32>
      %mul3A_104 = arith.mulf %sub3A_91, %mul3A_103 : vector<2000x128xf32>
      %mul3A_105 = vector.broadcast %get3A_80 : vector<1x128xf32> to vector<2000x128xf32>
      %mul3A_106 = arith.mulf %mul3A_104, %mul3A_105 : vector<2000x128xf32>
      %add3A_107 = vector.broadcast %get3A_83 : vector<1x128xf32> to vector<2000x128xf32>
      %add3A_108 = arith.addf %mul3A_106, %add3A_107 : vector<2000x128xf32>
      %max3A_109 = arith.constant 0.000000e+00 : f32
      %max3A_110 = vector.broadcast %max3A_109 : f32 to vector<2000x128xf32>
      %max3A_111 = arith.maximumf %add3A_108, %max3A_110 : vector<2000x128xf32>
      %get3A_112 = arith.constant 0 : index
      %get3A_113 = arith.constant 0 : index
      %get3A_114 = vector.load %arg14[%get3A_112, %get3A_113] : memref<128x128xf32, #tpu.memory_space<vmem>>, vector<128x128xf32>
      %dot_general3A_115 = arith.constant dense<0.000000e+00> : vector<2000x128xf32>
      %dot_general3A_116 = tpu.matmul %max3A_111, %get3A_114, %dot_general3A_115 {dimension_numbers = #tpu.dot_dimension_numbers<[1], [0], [0], [1], [0, 0, 1, 1], [], []>, transpose_lhs_hint = false} : vector<2000x128xf32>, vector<128x128xf32>, vector<2000x128xf32> -> vector<2000x128xf32>
      %get3A_117 = arith.constant 0 : index
      %get3A_118 = arith.constant 0 : index
      %get3A_119 = vector.load %arg15[%get3A_117, %get3A_118] : memref<1x128xf32, #tpu.memory_space<vmem>>, vector<1x128xf32>
      %add3A_120 = vector.broadcast %get3A_119 : vector<1x128xf32> to vector<2000x128xf32>
      %add3A_121 = arith.addf %dot_general3A_116, %add3A_120 : vector<2000x128xf32>
      %mul3A_122 = arith.constant 2000 : i32
      %mul3A_123 = arith.muli %arg1, %mul3A_122 : i32
      %swap3A = arith.index_cast %mul3A_123 : i32 to index
      %swap3A_124 = arith.constant 0 : index
      %swap3A_125 = vector.load %arg19[%swap3A, %swap3A_124] : memref<10000x128xf32, #tpu.memory_space<vmem>>, vector<2000x128xf32>
      tpu.vector_store %arg19[%swap3A, %swap3A_124], %add3A_121 {strides = array<i32>} : memref<10000x128xf32, #tpu.memory_space<vmem>>, vector<2000x128xf32>,
      %reduce_sum3A_126 = arith.constant dense<0.000000e+00> : vector<2000xf32>
      %reduce_sum3A_127 = vector.multi_reduction <add>, %add3A_121, %reduce_sum3A_126 [1] : vector<2000x128xf32> to vector<2000xf32>
      %broadcast_in_dim3A_128 = vector.shape_cast %reduce_sum3A_127 : vector<2000xf32> to vector<2000x1xf32>
      %mul3A_129 = arith.mulf %add3A_121, %add3A_121 : vector<2000x128xf32>
      %reduce_sum3A_130 = arith.constant dense<0.000000e+00> : vector<2000xf32>
      %reduce_sum3A_131 = vector.multi_reduction <add>, %mul3A_129, %reduce_sum3A_130 [1] : vector<2000x128xf32> to vector<2000xf32>
      %broadcast_in_dim3A_132 = vector.shape_cast %reduce_sum3A_131 : vector<2000xf32> to vector<2000x1xf32>
      %mul3A_133 = vector.broadcast %broadcast_in_dim3A_128 : vector<2000x1xf32> to vector<2000x16xf32>
      %mul3A_134 = arith.mulf %convert_element_type3A_3, %mul3A_133 : vector<2000x16xf32>
      %reduce_sum3A_135 = arith.constant dense<0.000000e+00> : vector<16xf32>
      %reduce_sum3A_136 = vector.multi_reduction <add>, %mul3A_134, %reduce_sum3A_135 [0] : vector<2000x16xf32> to vector<16xf32>
      %broadcast_in_dim3A_137 = vector.shape_cast %reduce_sum3A_136 : vector<16xf32> to vector<16x1xf32>
      %mul3A_138 = vector.broadcast %broadcast_in_dim3A_132 : vector<2000x1xf32> to vector<2000x16xf32>
      %mul3A_139 = arith.mulf %convert_element_type3A_3, %mul3A_138 : vector<2000x16xf32>
      %reduce_sum3A_140 = arith.constant dense<0.000000e+00> : vector<16xf32>
      %reduce_sum3A_141 = vector.multi_reduction <add>, %mul3A_139, %reduce_sum3A_140 [0] : vector<2000x16xf32> to vector<16xf32>
      %broadcast_in_dim3A_142 = vector.shape_cast %reduce_sum3A_141 : vector<16xf32> to vector<16x1xf32>
      %reduce_sum3A_143 = arith.constant dense<0.000000e+00> : vector<16xf32>
      %reduce_sum3A_144 = vector.multi_reduction <add>, %convert_element_type3A_3, %reduce_sum3A_143 [0] : vector<2000x16xf32> to vector<16xf32>
      %broadcast_in_dim3A_145 = vector.shape_cast %reduce_sum3A_144 : vector<16xf32> to vector<16x1xf32>
      %broadcast_in_dim3A_146 = arith.constant 0.000000e+00 : f32
      %broadcast_in_dim3A_147 = vector.broadcast %broadcast_in_dim3A_146 : f32 to vector<16x125xf32>
      %concatenate3A = tpu.concatenate %broadcast_in_dim3A_137, %broadcast_in_dim3A_142, %broadcast_in_dim3A_145, %broadcast_in_dim3A_147 in 1 : vector<16x1xf32>, vector<16x1xf32>, vector<16x1xf32>, vector<16x125xf32> -> vector<16x128xf32>
      %eq3A_148 = arith.constant 0 : i32
      %eq3A_149 = arith.cmpi eq, %arg1, %eq3A_148 : i32
      %convert_element_type3A_150 = arith.extui %eq3A_149 : i1 to i32
      %cond3A_151 = arith.constant 0 : i32
      %cond3A_152 = arith.cmpi ne, %convert_element_type3A_150, %cond3A_151 : i32
      scf.if %cond3A_152 {
        %swap3A_157 = arith.constant 0 : index
        %swap3A_158 = arith.constant 0 : index
        %swap3A_159 = vector.load %arg20[%swap3A_157, %swap3A_158] : memref<16x128xf32, #tpu.memory_space<vmem>>, vector<16x128xf32>
        tpu.vector_store %arg20[%swap3A_157, %swap3A_158], %concatenate3A {strides = array<i32>} : memref<16x128xf32, #tpu.memory_space<vmem>>, vector<16x128xf32>,
      } else {
      }
      %gt3A = arith.constant 0 : i32
      %gt3A_153 = arith.cmpi sgt, %arg1, %gt3A : i32
      %convert_element_type3A_154 = arith.extui %gt3A_153 : i1 to i32
      %cond3A_155 = arith.constant 0 : i32
      %cond3A_156 = arith.cmpi ne, %convert_element_type3A_154, %cond3A_155 : i32
      scf.if %cond3A_156 {
        %get3A_157 = arith.constant 0 : index
        %get3A_158 = arith.constant 0 : index
        %get3A_159 = vector.load %arg20[%get3A_157, %get3A_158] : memref<16x128xf32, #tpu.memory_space<vmem>>, vector<16x128xf32>
        %add3A_160 = arith.addf %get3A_159, %concatenate3A : vector<16x128xf32>
        %swap3A_161 = arith.constant 0 : index
        %swap3A_162 = arith.constant 0 : index
        %swap3A_163 = vector.load %arg20[%swap3A_161, %swap3A_162] : memref<16x128xf32, #tpu.memory_space<vmem>>, vector<16x128xf32>
        tpu.vector_store %arg20[%swap3A_161, %swap3A_162], %add3A_160 {strides = array<i32>} : memref<16x128xf32, #tpu.memory_space<vmem>>, vector<16x128xf32>,
      } else {
      }
    } else {
    }
    %eq3A_8 = arith.constant 1 : i32
    %eq3A_9 = arith.cmpi eq, %arg0, %eq3A_8 : i32
    %convert_element_type3A_10 = arith.extui %eq3A_9 : i1 to i32
    %cond3A_11 = arith.constant 0 : i32
    %cond3A_12 = arith.cmpi ne, %convert_element_type3A_10, %cond3A_11 : i32
    scf.if %cond3A_12 {
      %get3A_13 = arith.constant 0 : index
      %get3A_14 = arith.constant 0 : index
      %get3A_15 = vector.load %arg20[%get3A_13, %get3A_14] : memref<16x128xf32, #tpu.memory_space<vmem>>, vector<16x128xf32>
      %slice3A = vector.extract_strided_slice %get3A_15 {offsets = [0, 2], sizes = [16, 1], strides = [1, 1]} : vector<16x128xf32> to vector<16x1xf32>
      %squeeze3A = vector.shape_cast %slice3A : vector<16x1xf32> to vector<16xf32>
      %mul3A = arith.constant 1.280000e+02 : f32
      %mul3A_16 = vector.broadcast %mul3A : f32 to vector<16xf32>
      %mul3A_17 = arith.mulf %squeeze3A, %mul3A_16 : vector<16xf32>
      %max3A = arith.constant 1.000000e+00 : f32
      %max3A_18 = vector.broadcast %max3A : f32 to vector<16xf32>
      %max3A_19 = arith.maximumf %mul3A_17, %max3A_18 : vector<16xf32>
      %slice3A_20 = vector.extract_strided_slice %get3A_15 {offsets = [0, 0], sizes = [16, 1], strides = [1, 1]} : vector<16x128xf32> to vector<16x1xf32>
      %squeeze3A_21 = vector.shape_cast %slice3A_20 : vector<16x1xf32> to vector<16xf32>
      %div3A = arith.divf %squeeze3A_21, %max3A_19 : vector<16xf32>
      %slice3A_22 = vector.extract_strided_slice %get3A_15 {offsets = [0, 1], sizes = [16, 1], strides = [1, 1]} : vector<16x128xf32> to vector<16x1xf32>
      %squeeze3A_23 = vector.shape_cast %slice3A_22 : vector<16x1xf32> to vector<16xf32>
      %div3A_24 = arith.divf %squeeze3A_23, %max3A_19 : vector<16xf32>
      %mul3A_25 = arith.mulf %div3A, %div3A : vector<16xf32>
      %sub3A = arith.subf %div3A_24, %mul3A_25 : vector<16xf32>
      %max3A_26 = arith.constant 0.000000e+00 : f32
      %max3A_27 = vector.broadcast %max3A_26 : f32 to vector<16xf32>
      %max3A_28 = arith.maximumf %sub3A, %max3A_27 : vector<16xf32>
      %add3A = arith.constant 9.99999974E-6 : f32
      %add3A_29 = vector.broadcast %add3A : f32 to vector<16xf32>
      %add3A_30 = arith.addf %max3A_28, %add3A_29 : vector<16xf32>
      %rsqrt3A = math.rsqrt %add3A_30 : vector<16xf32>
      %broadcast_in_dim3A = vector.shape_cast %div3A : vector<16xf32> to vector<1x16xf32>
      %mul3A_31 = vector.broadcast %broadcast_in_dim3A : vector<1x16xf32> to vector<2000x16xf32>
      %mul3A_32 = arith.mulf %convert_element_type3A_3, %mul3A_31 : vector<2000x16xf32>
      %reduce_sum3A = arith.constant dense<0.000000e+00> : vector<2000xf32>
      %reduce_sum3A_33 = vector.multi_reduction <add>, %mul3A_32, %reduce_sum3A [1] : vector<2000x16xf32> to vector<2000xf32>
      %broadcast_in_dim3A_34 = vector.shape_cast %reduce_sum3A_33 : vector<2000xf32> to vector<2000x1xf32>
      %broadcast_in_dim3A_35 = vector.shape_cast %rsqrt3A : vector<16xf32> to vector<1x16xf32>
      %mul3A_36 = vector.broadcast %broadcast_in_dim3A_35 : vector<1x16xf32> to vector<2000x16xf32>
      %mul3A_37 = arith.mulf %convert_element_type3A_3, %mul3A_36 : vector<2000x16xf32>
      %reduce_sum3A_38 = arith.constant dense<0.000000e+00> : vector<2000xf32>
      %reduce_sum3A_39 = vector.multi_reduction <add>, %mul3A_37, %reduce_sum3A_38 [1] : vector<2000x16xf32> to vector<2000xf32>
      %broadcast_in_dim3A_40 = vector.shape_cast %reduce_sum3A_39 : vector<2000xf32> to vector<2000x1xf32>
      %mul3A_41 = arith.constant 2000 : i32
      %mul3A_42 = arith.muli %arg1, %mul3A_41 : i32
      %get3A_43 = arith.index_cast %mul3A_42 : i32 to index
      %get3A_44 = arith.constant 0 : index
      %get3A_45 = vector.load %arg19[%get3A_43, %get3A_44] : memref<10000x128xf32, #tpu.memory_space<vmem>>, vector<2000x128xf32>
      %sub3A_46 = vector.broadcast %broadcast_in_dim3A_34 : vector<2000x1xf32> to vector<2000x128xf32>
      %sub3A_47 = arith.subf %get3A_45, %sub3A_46 : vector<2000x128xf32>
      %mul3A_48 = vector.broadcast %broadcast_in_dim3A_40 : vector<2000x1xf32> to vector<2000x128xf32>
      %mul3A_49 = arith.mulf %sub3A_47, %mul3A_48 : vector<2000x128xf32>
      %get3A_50 = arith.constant 0 : index
      %get3A_51 = arith.constant 0 : index
      %get3A_52 = vector.load %arg16[%get3A_50, %get3A_51] : memref<1x128xf32, #tpu.memory_space<vmem>>, vector<1x128xf32>
      %mul3A_53 = vector.broadcast %get3A_52 : vector<1x128xf32> to vector<2000x128xf32>
      %mul3A_54 = arith.mulf %mul3A_49, %mul3A_53 : vector<2000x128xf32>
      %get3A_55 = arith.constant 0 : index
      %get3A_56 = arith.constant 0 : index
      %get3A_57 = vector.load %arg17[%get3A_55, %get3A_56] : memref<1x128xf32, #tpu.memory_space<vmem>>, vector<1x128xf32>
      %add3A_58 = vector.broadcast %get3A_57 : vector<1x128xf32> to vector<2000x128xf32>
      %add3A_59 = arith.addf %mul3A_54, %add3A_58 : vector<2000x128xf32>
      %max3A_60 = arith.constant 0.000000e+00 : f32
      %max3A_61 = vector.broadcast %max3A_60 : f32 to vector<2000x128xf32>
      %max3A_62 = arith.maximumf %add3A_59, %max3A_61 : vector<2000x128xf32>
      %swap3A = arith.constant 0 : index
      %swap3A_63 = arith.constant 0 : index
      %swap3A_64 = vector.load %arg18[%swap3A, %swap3A_63] : memref<2000x128xf32, #tpu.memory_space<vmem>>, vector<2000x128xf32>
      tpu.vector_store %arg18[%swap3A, %swap3A_63], %max3A_62 {strides = array<i32>} : memref<2000x128xf32, #tpu.memory_space<vmem>>, vector<2000x128xf32>,
    } else {
    }
    return
  }
  func.func @transform_0(%arg0: i32, %arg1: i32) -> (i32, i32) {
    %c0_i32 = arith.constant 0 : i32
    %c0_i32_0 = arith.constant 0 : i32
    return %arg1, %c0_i32 : i32, i32
  }
  func.func @transform_1(%arg0: i32, %arg1: i32) -> (i32, i32, i32) {
    %c0_i32 = arith.constant 0 : i32
    %c0_i32_0 = arith.constant 0 : i32
    %c0_i32_1 = arith.constant 0 : i32
    return %c0_i32, %arg1, %c0_i32_0 : i32, i32, i32
  }
  func.func @transform_2(%arg0: i32, %arg1: i32) -> (i32, i32) {
    %c0_i32 = arith.constant 0 : i32
    %c0_i32_0 = arith.constant 0 : i32
    return %arg1, %c0_i32 : i32, i32
  }
  func.func @transform_3(%arg0: i32, %arg1: i32) -> (i32, i32) {
    %c0_i32 = arith.constant 0 : i32
    %c0_i32_0 = arith.constant 0 : i32
    %c0_i32_1 = arith.constant 0 : i32
    return %c0_i32, %c0_i32_0 : i32, i32
  }
  func.func @transform_4(%arg0: i32, %arg1: i32) -> (i32, i32) {
    %c0_i32 = arith.constant 0 : i32
    %c0_i32_0 = arith.constant 0 : i32
    %c0_i32_1 = arith.constant 0 : i32
    return %c0_i32, %c0_i32_0 : i32, i32
  }
  func.func @transform_5(%arg0: i32, %arg1: i32) -> (i32, i32) {
    %c0_i32 = arith.constant 0 : i32
    %c0_i32_0 = arith.constant 0 : i32
    %c0_i32_1 = arith.constant 0 : i32
    return %c0_i32, %c0_i32_0 : i32, i32
  }
  func.func @transform_6(%arg0: i32, %arg1: i32) -> (i32, i32) {
    %c0_i32 = arith.constant 0 : i32
    %c0_i32_0 = arith.constant 0 : i32
    %c0_i32_1 = arith.constant 0 : i32
    return %c0_i32, %c0_i32_0 : i32, i32
  }
  func.func @transform_7(%arg0: i32, %arg1: i32) -> (i32, i32) {
    %c0_i32 = arith.constant 0 : i32
    %c0_i32_0 = arith.constant 0 : i32
    %c0_i32_1 = arith.constant 0 : i32
    return %c0_i32, %c0_i32_0 : i32, i32
  }
  func.func @transform_8(%arg0: i32, %arg1: i32) -> (i32, i32) {
    %c0_i32 = arith.constant 0 : i32
    %c0_i32_0 = arith.constant 0 : i32
    %c0_i32_1 = arith.constant 0 : i32
    return %c0_i32, %c0_i32_0 : i32, i32
  }
  func.func @transform_9(%arg0: i32, %arg1: i32) -> (i32, i32) {
    %c0_i32 = arith.constant 0 : i32
    %c0_i32_0 = arith.constant 0 : i32
    %c0_i32_1 = arith.constant 0 : i32
    return %c0_i32, %c0_i32_0 : i32, i32
  }
  func.func @transform_10(%arg0: i32, %arg1: i32) -> (i32, i32) {
    %c0_i32 = arith.constant 0 : i32
    %c0_i32_0 = arith.constant 0 : i32
    %c0_i32_1 = arith.constant 0 : i32
    return %c0_i32, %c0_i32_0 : i32, i32
  }
  func.func @transform_11(%arg0: i32, %arg1: i32) -> (i32, i32) {
    %c0_i32 = arith.constant 0 : i32
    %c0_i32_0 = arith.constant 0 : i32
    %c0_i32_1 = arith.constant 0 : i32
    return %c0_i32, %c0_i32_0 : i32, i32
  }
  func.func @transform_12(%arg0: i32, %arg1: i32) -> (i32, i32) {
    %c0_i32 = arith.constant 0 : i32
    %c0_i32_0 = arith.constant 0 : i32
    %c0_i32_1 = arith.constant 0 : i32
    return %c0_i32, %c0_i32_0 : i32, i32
  }
  func.func @transform_13(%arg0: i32, %arg1: i32) -> (i32, i32) {
    %c0_i32 = arith.constant 0 : i32
    %c0_i32_0 = arith.constant 0 : i32
    %c0_i32_1 = arith.constant 0 : i32
    return %c0_i32, %c0_i32_0 : i32, i32
  }
  func.func @transform_14(%arg0: i32, %arg1: i32) -> (i32, i32) {
    %c0_i32 = arith.constant 0 : i32
    %c0_i32_0 = arith.constant 0 : i32
    %c0_i32_1 = arith.constant 0 : i32
    return %c0_i32, %c0_i32_0 : i32, i32
  }
  func.func @transform_15(%arg0: i32, %arg1: i32) -> (i32, i32) {
    %c0_i32 = arith.constant 0 : i32
    %c0_i32_0 = arith.constant 0 : i32
    %c0_i32_1 = arith.constant 0 : i32
    return %c0_i32, %c0_i32_0 : i32, i32
  }
  func.func @transform_16(%arg0: i32, %arg1: i32) -> (i32, i32) {
    %c0_i32 = arith.constant 0 : i32
    %c0_i32_0 = arith.constant 0 : i32
    return %arg1, %c0_i32 : i32, i32
  }
}

</mosaic_0001>

<sc_bundles>
// kernel: kernel.4.cloned.1.call-start
scs
__scs_entry_jumppad:
0x0: {  	(pc) =	sbr.rel $0x88, $3  }
0x1: {  	(tag) =	ssettag $0x0;
	lr =	simm.s32 $0x1  }
0x2: {  	[smem:$0x3F91] =	sst lr;
	_ =	strace $0xD0000000  }
0x3: {  	_ = 	snop  }
0x4: {  	_ = 	snop  }
0x5: {  	_ = 	snop  }
0x6: {  	_ = 	snop  }
0x7: {  	_ = 	snop  }
__scs_overlays_trampoline_lowered:
0x8: {  	[smem:$0x3FA0] =	sst s0  }
0x9: {  	[smem:$0x3FA1] =	sst s1  }
0xa: {  	[smem:$0x3FA2] =	sst s2  }
0xb: {  	[smem:$0x3FA3] =	sst s3  }
0xc: {  	[smem:$0x3FA4] =	sst s4  }
0xd: {  	[smem:$0x3FA5] =	sst s5  }
0xe: {  	[smem:$0x3FA6] =	sst s6  }
0xf: {  	[smem:$0x3FA7] =	sst s7  }
0x10: {  	[smem:$0x3FA8] =	sst s8  }
0x11: {  	[smem:$0x3FA9] =	sst s9;
	s0 =	simm.s32 @!p0 $0x0  }
0x12: {  	s1 =	sld [smem:$0x3F8F];
	s0 =	simm.s32 @p0 $0x1  }
0x13: {  	[smem:$0x3FAA] =	sst s0;
	s0 =	simm.s32 @!p1 $0x0  }
0x14: {  	s2 =	sld [smem:$0x3F8E];
	s0 =	simm.s32 @p1 $0x1  }
0x15: {  	[smem:$0x3FAB] =	sst s0;
	s0 =	simm.s32 @!p2 $0x0  }
0x16: {  	s3 =	sld [smem:$0x3FDB];
	s0 =	simm.s32 @p2 $0x1  }
0x17: {  	s4 =	simm.s32 $0x1BF5;
	[smem:$0x3FAD] =	sst s0  }
0x18: {  	s0 =	sld [smem:$0x3F90];
	_ =	swait.ge [sflag:s4], $0x0  }
0x19: {  	s7 =	sld [smem:$0x3F91]  }
0x1a: {  	s8 =	sadd.s32 $0xFFFFE003, lr  }
0x1b: {  	s9 =	sadd.s32 $0xFFFFFEF7, lr;
	s5 =	simm.s32 $0xFFFFFFFF;
	p2 =	slt.u32 s8, $0xFFFFF086  }
0x1c: {  	p1 =	slt.u32 s9, $0xF7A;
	s5 =	simm.s32 @!p2 $0x0  }
0x1d: {  	s5 =	simm.s32 @p1 $0x1;
	p0 =	seq.s32 s7, s2  }
0x1e: {  	s7 =	smul.u32 @!p0 $0xF7A, s2;
	p2 =	seq.s32 @!p0 s5, $0x0  }
0x1f: {  	s9 =	smul.u32 $0xF7A, s1;
	s8 =	simm.s32 @!p0 $0x1BF5;
	p2 =	por !p2, p0  }
0x20: {  	[sflag:s8] =	ssyncset.s32 @!p0 $0xFFFFF086;
	s6 =	sadd.s32 @!p0 s3, s7;
	s7 =	simm.s32 @!p0 $0x108  }
0x21: {  	s3 =	sadd.s32 s3, s9;
	s6 =	sadd.s32 @!p0 $0x88, s6;
	s7 =	simm.s32 @p2 $0x1082  }
0x22: {  	[simem:s7], [sflag:s8] =	dma.local @!p0 [hbm:s6], $0xF7A  }
0x23: {  	s9 =	sor.u32 $0xD0000000, s2;
	s6 =	simm.s32 $0x108;
	_ =	swait.ge @!p0 [sflag:s8], $0x0  }
0x24: {  	s3 =	sadd.s32 $0x88, s3;
	s6 =	simm.s32 @!p1 $0x1082;
	[sflag:s4] =	ssyncset.s32 $0xFFFFF086  }
0x25: {  	[simem:s6], [sflag:s4] =	dma.local [hbm:s3], $0xF7A  }
0x26: {  	[smem:$0x3F91] =	sst s1;
	(tag) =	ssettag s2;
	_ =	strace s9  }
0x27: {  	s1 =	sld [smem:$0x3FA1]  }
0x28: {  	s2 =	sld [smem:$0x3FA2]  }
0x29: {  	s4 =	sld [smem:$0x3FA4]  }
0x2a: {  	p0 =	seq.s32 s5, $0x0;
	s5 =	sld [smem:$0x3FA5]  }
0x2b: {  	s6 =	sld [smem:$0x3FA6]  }
0x2c: {  	s7 =	sld [smem:$0x3FA7]  }
0x2d: {  	s3 =	simm.s32 $0x108;
	s8 =	sld [smem:$0x3FA8]  }
0x2e: {  	s3 =	simm.s32 @!p0 $0x1082;
	s9 =	sld [smem:$0x3FA9]  }
0x2f: {  	lr =	sadd.s32 s0, s3;
	s0 =	sld [smem:$0x3FA0]  }
0x30: {  	s3 =	sld [smem:$0x3FA3]  }
0x31: {  	[smem:$0x3FAC] =	sst s10  }
0x32: {  	s10 =	sld [smem:$0x3FAA];
	_ =	sdelay $0x3  }
0x33: {  	p0 =	seq.s32 s10, $0x1;
	s10 =	sld [smem:$0x3FAC];
	_ =	sdelay $0x3  }
0x34: {  	[smem:$0x3FAC] =	sst s10  }
0x35: {  	s10 =	sld [smem:$0x3FAB];
	_ =	sdelay $0x3  }
0x36: {  	p1 =	seq.s32 s10, $0x1;
	s10 =	sld [smem:$0x3FAC];
	_ =	sdelay $0x3  }
0x37: {  	[smem:$0x3FAC] =	sst s10  }
0x38: {  	s10 =	sld [smem:$0x3FAD]  }
0x39: {  	_ = 	snop;
	(pc) =	sbr.ind lr, $3  }
0x3a: {  	_ = 	snop  }
0x3b: {  	_ = 	snop  }
0x3c: {  	p2 =	seq.s32 s10, $0x1;
	s10 =	sld [smem:$0x3FAC]  }
0x3d: {  	_ =	shalt  }
0x3e: {  	_ =	shalt  }
0x3f: {  	_ =	shalt  }
0x40: {  	_ =	shalt  }
0x41: {  	_ =	shalt  }
0x42: {  	_ =	shalt  }
0x43: {  	_ =	shalt  }
0x44: {  	_ =	shalt  }
0x45: {  	_ =	shalt  }
0x46: {  	_ =	shalt  }
0x47: {  	_ =	shalt  }
0x48: {  	_ =	shalt  }
0x49: {  	_ =	shalt  }
0x4a: {  	_ =	shalt  }
0x4b: {  	_ =	shalt  }
0x4c: {  	_ =	shalt  }
0x4d: {  	_ =	shalt  }
0x4e: {  	_ =	shalt  }
0x4f: {  	_ =	shalt  }
0x50: {  	_ =	shalt  }
0x51: {  	_ =	shalt  }
0x52: {  	_ =	shalt  }
0x53: {  	_ =	shalt  }
0x54: {  	_ =	shalt  }
0x55: {  	_ =	shalt  }
0x56: {  	_ =	shalt  }
0x57: {  	_ =	shalt  }
0x58: {  	_ =	shalt  }
0x59: {  	_ =	shalt  }
0x5a: {  	_ =	shalt  }
0x5b: {  	_ =	shalt  }
0x5c: {  	_ =	shalt  }
0x5d: {  	_ =	shalt  }
0x5e: {  	_ =	shalt  }
0x5f: {  	_ =	shalt  }
0x60: {  	_ =	shalt  }
0x61: {  	_ =	shalt  }
0x62: {  	_ =	shalt  }
0x63: {  	_ =	shalt  }
0x64: {  	_ =	shalt  }
0x65: {  	_ =	shalt  }
0x66: {  	_ =	shalt  }
0x67: {  	_ =	shalt  }
0x68: {  	_ =	shalt  }
0x69: {  	_ =	shalt  }
0x6a: {  	_ =	shalt  }
0x6b: {  	_ =	shalt  }
0x6c: {  	_ =	shalt  }
0x6d: {  	_ =	shalt  }
0x6e: {  	_ =	shalt  }
0x6f: {  	_ =	shalt  }
0x70: {  	_ =	shalt  }
0x71: {  	_ =	shalt  }
0x72: {  	_ =	shalt  }
0x73: {  	_ =	shalt  }
0x74: {  	_ =	shalt  }
0x75: {  	_ =	shalt  }
0x76: {  	_ =	shalt  }
0x77: {  	_ =	shalt  }
0x78: {  	_ =	shalt  }
0x79: {  	_ =	shalt  }
0x7a: {  	_ =	shalt  }
0x7b: {  	_ =	shalt  }
0x7c: {  	_ =	shalt  }
0x7d: {  	_ =	shalt  }
0x7e: {  	_ =	shalt  }
0x7f: {  	_ =	shalt  }
0x80: {  	_ =	shalt  }
0x81: {  	_ =	shalt  }
0x82: {  	_ =	shalt  }
0x83: {  	_ =	shalt  }
0x84: {  	_ =	shalt  }
0x85: {  	_ =	shalt  }
0x86: {  	_ =	shalt  }
0x87: {  	_ =	shalt  }
.Lfunc_end0:
.L_simem_size_0:
called_computation_lowered:
.L_overlay_start_0:
0x88: {  	s2 =	sld [smem:$0x3FD9]  }
0x89: {  	s3 =	sld [smem:$0x3FFE];
	_ =	sdelay $0x1  }
0x8a: {  	s1 =	srdreg.scid  }
0x8b: {  	s0 =	sand.u32 $0x1, s1  }
0x8c: {  	s17 =	sshll.u32 s0, $0xA;
	s2 =	sadd.s32 s3, s2  }
0x8d: {  	s2 =	sadd.s32 s2, s17  }
0x8e: {  	[smem:$0x3FB8] =	sst s2  }
0x8f: {  	_ = 	snop  }
0x90: {  	s2 =	sld [smem:$0x3FC9]  }
0x91: {  	s18 =	sld [smem:$0x3FD0];
	(tm) =	ssettm $0x1  }
0x92: {  	s4 =	sld [smem:$0x3FFB];
	_ =	sdelay $0x3  }
0x93: {  	_ =	strace s4  }
0x94: {  	s4 =	sld [smem:$0x3FFC];
	_ =	sdelay $0x3  }
0x95: {  	_ =	strace s4  }
0x96: {  	s4 =	sld [smem:$0x3FFD];
	_ =	sdelay $0x3  }
0x97: {  	_ =	strace s4  }
0x98: {  	_ =	strace $0x8FFFFFFF  }
0x99: {  	s19 =	sld [smem:$0x3FDB];
	_ =	sdelay $0x1  }
0x9a: {  	s5 =	simm.s32 $_scs_section_size  }
0x9b: {  	s6 =	simm.s32 $_size__tile_overlayer_lowered;
	s7 =	simm.s32 $_tile_overlayer_lowered  }
0x9c: {  	s22 =	simm.s32 $0x1BFF;
	s21 =	sshll.u32 s7, $0x1;
	s4 =	sadd.s32 s5, s19  }
0x9d: {  	s8 =	simm.s32 $0x0;
	s20 =	sshll.u32 s6, $0x1;
	s6 =	sadd.s32 s21, s4  }
0x9e: {  	[timem:s8], [sflag:s22] =	dma.local [hbm:s6], s20  }
0x9f: {  	_ =	swait.ge [sflag:s22], s20  }
0xa0: {  	s5 =	ssub.s32 $0x0, s20;
	[sflag:s22] =	ssyncset.done $0x0  }
0xa1: {  	[sflag:s22] =	ssyncadd.s32 s5;
	_ =	sdelay $0x1  }
0xa2: {  	s23 =	simm.s32 $0x1B8B  }
0xa3: {  	_ =	swait.ge [sflag:s23], $0x1  }
0xa4: {  	[sflag:s23] =	ssyncset.done $0x0  }
0xa5: {  	s25 =	simm.s32 $0x1B8E;
	s24 =	sld [smem:$0x3FFE];
	[sflag:s23] =	ssyncadd.s32 $0xFFFFFFFF  }
0xa6: {  	s26 =	simm.s32 $execute0_lowered;
	[smem:$0x3FD2] =	sst s25  }
0xa7: {  	s6 =	sshll.u32 s26, $0x1;
	_ =	strace $0x80000046;
	[dreg:$0x1] =	wrdreg $0xFFFFFFFF  }
0xa8: {  	s28 =	simm.s32 $_size_execute0_lowered;
	s4 =	sadd.s32 s4, s6;
	[dreg:$0x0] =	wrdreg $0x0  }
0xa9: {  	s6 =	sshll.u32 s28, $0x1;
	[dreg:$0x2] =	wrdreg s4  }
0xaa: {  	[dreg:$0x3] =	wrdreg s6  }
0xab: {  	[dreg:$0x4] =	wrdreg $0xC0  }
0xac: {  	_ =	task [dreg:s8], $0x5FFFF  }
0xad: {  	[dreg:$0x1] =	wrdreg $0xFFFFFFFF  }
0xae: {  	[dreg:$0x0] =	wrdreg $0x60  }
0xaf: {  	[dreg:$0x2] =	wrdreg s2  }
0xb0: {  	[dreg:$0x3] =	wrdreg s18  }
0xb1: {  	[dreg:$0x4] =	wrdreg s24  }
0xb2: {  	[dreg:$0x5] =	wrdreg $0xA4000  }
0xb3: {  	[dreg:$0x6] =	wrdreg $0x9  }
0xb4: {  	_ =	task.clear_ibuf [dreg:s8], $0x7FFFF;
	_ =	strace $0x90000046  }
0xb5: {  	s29 =	simm.s32 $0x9;
	_ =	strace $0x80000048  }
0xb6: {  	_ =	swait.ge [sflag:s29], $0x1  }
0xb7: {  	[sflag:s29] =	ssyncadd.s32 $0xFFFFFFFF  }
0xb8: {  	_ =	strace $0x90000048  }
0xb9: {  	_ =	sfence  }
0xba: {  	s30 =	sld [smem:$0x0];
	_ =	sdelay $0x2  }
0xbb: {  	s31 =	sshll.u32 s1, $0xD;
	s1 =	sshrl.u32 s1, $0x2  }
0xbc: {  	s3 =	sand.u32 $0x4000, s31;
	s1 =	sadd.s32 s1, s30  }
0xbd: {  	s0 =	sor.u32 s3, s0;
	s1 =	sshll.u32 s1, $0x11  }
0xbe: {  	s0 =	sor.u32 s1, s0  }
0xbf: {  	s0 =	sadd.s32 $0x8F2B, s0  }
0xc0: {  	[sflag:s0] =	ssyncadd.remote.s32 $0x1  }
0xc1: {  	_ =	sfence.sel $0xFFFF  }
0xc2: {  	[dreg:$0x0] =	wrdreg $0xFFFFFFFF;
	(pc) =	sbr.abs _section_cstart, $3  }
0xc3: {  	[dreg:$0x1] =	wrdreg $0xFFFFFFFF  }
0xc4: {  	_ =	task.clear_ibuf [dreg:s8], $0x2FFFF;
	_ =	strace $0x9FFFFFFF  }
0xc5: {  	(tm) =	ssettm $0x7FFFFFFF  }
tec
execute0_lowered:
.L_overlay_start_1:
0x0: {  	(tag) =	ssettag $0x1  }
0x1: {  	s1 =	rddreg [dreg:$0x0]  }
0x2: {  	s11 =	rddreg [dreg:$0x1]  }
0x3: {  	s0 =	rddreg [dreg:$0x2]  }
0x4: {  	s3 =	rddreg [dreg:$0x3]  }
0x5: {  	s4 =	simm.s32 $0x0;
	s2 =	srdreg.scid;
	s5 =	stileid.u32  }
0x6: {  	s31 =	simm.s32 $0x80;
	s28 =	simm.s32 $0x9;
	s29 =	simm.s32 $0x4  }
0x7: {  	s30 =	simm.s32 $0x6;
	[smem:$0x7FF] =	sst s4;
	s7 =	smul.u32 $0x4E000, s5  }
0x8: {  	s2 =	sand.u32 $0x1, s2;
	s10 =	smul.u32 $0x13800, s5;
	s0 =	sadd.s32 $0x2800, s0  }
0x9: {  	s13 =	sshll.u32 s5, $0x6;
	s14 =	sadd.s32 $0x138000, s3;
	s16 =	sadd.s32 $0x27000, s1  }
0xa: {  	s23 =	smul.u32 $0x2710, s5;
	p0 =	sne.s32 s5, $0x0;
	_ =	strace $0x80000047  }
0xb: {  	s6 =	ssub.s32 $0x2, s2;
	s9 =	sshll.u32 s2, $0x4;
	[dreg:$0x8] =	wrdreg s14  }
0xc: {  	s20 =	sor.u32 $0x1C0D, s13;
	[dreg:$0x9] =	wrdreg s16;
	s17 =	smul.u32 $0x138800, s2  }
0xd: {  	s2 =	smul.u32 $0x27100, s2;
	s8 =	sshrl.u32 s6, $0x1;
	s25 =	sor.u32 s5, s9  }
0xe: {  	s7 =	sshrl.u32 s7, $0x2;
	s26 =	sshrl.u32 s10, $0x3;
	s5 =	simm.s32 $0x8  }
0xf: {  	[dreg:$0x7] =	wrdreg s20;
	s6 =	ssub.s32 s6, s8;
	s7 =	sadd.s32 s7, s3  }
0x10: {  	s8 =	smul.u32 $0x2710, s25;
	s12 =	sadd.s32 s1, s26;
	[dreg:$0x5] =	wrdreg s7  }
0x11: {  	s22 =	sadd.s32 s10, s17;
	s2 =	sadd.s32 s23, s2;
	[dreg:$0x6] =	wrdreg s12  }
0x12: {  	s7 =	sshrl.u32 s17, $0x3;
	s25 =	sadd.s32 $0x230, s2;
	s26 =	sadd.s32 $0x4E430, s2  }
0x13: {  	s6 =	smax.u32 s6, $0x1;
	s10 =	sadd.s32 $0x1E0, s2;
	s13 =	sadd.s32 $0x4E3E0, s2  }
0x14: {  	s14 =	sadd.s32 $0x190, s2;
	s15 =	sshrl.u32 s8, $0x3;
	s8 =	sshrl.u32 s22, $0x3  }
0x15: {  	[dreg:$0x11] =	wrdreg s6;
	s16 =	sshrl.u32 s14, $0x3;
	s6 =	simm.s32 $0x200  }
0x16: {  	s14 =	simm.s32 $0x400;
	s12 =	sadd.s32 s11, s15;
	s8 =	sadd.s32 s0, s8  }
0x17: {  	s0 =	sadd.s32 s0, s7;
	s17 =	sadd.s32 s16, s11;
	[dreg:$0xf] =	wrdreg s8  }
0x18: {  	s15 =	sshrl.u32 s13, $0x3;
	s13 =	simm.s32 $0x50;
	[dreg:$0x16] =	wrdreg s17  }
0x19: {  	s16 =	simm.s32 $0x2C00;
	s18 =	sadd.s32 $0x9C40, s12;
	[dreg:$0xa] =	wrdreg s12  }
0x1a: {  	s7 =	simm.s32 $0xA;
	s19 =	sadd.s32 $0xA, s12;
	[dreg:$0xb] =	wrdreg s18  }
0x1b: {  	s21 =	sadd.s32 $0x9C4A, s12;
	s24 =	sadd.s32 $0x14, s12;
	[dreg:$0xc] =	wrdreg s19  }
0x1c: {  	s0 =	sadd.s32 $0x27000, s0;
	s8 =	sshrl.u32 s26, $0x3;
	[dreg:$0xd] =	wrdreg s21  }
0x1d: {  	s23 =	sadd.s32 $0x9C54, s12;
	s26 =	sadd.s32 $0x9C5E, s12;
	[dreg:$0xe] =	wrdreg s24  }
0x1e: {  	s17 =	simm.s32 $0x3;
	[dreg:$0x10] =	wrdreg s0;
	s0 =	sshrl.u32 s25, $0x3  }
0x1f: {  	s9 =	sadd.s32 s8, s11;
	s18 =	sadd.s32 $0x4E390, s2;
	s19 =	sadd.s32 $0x4E340, s2  }
0x20: {  	s21 =	sadd.s32 $0x140, s2;
	[dreg:$0x19] =	wrdreg s23;
	s24 =	sadd.s32 $0x1E, s12  }
0x21: {  	[dreg:$0x1b] =	wrdreg s26;
	s8 =	simm.s32 $0x280;
	s12 =	simm.s32 $0x1  }
0x22: {  	s26 =	simm.s32 $0x5;
	s2 =	simm.s32 $0x7;
	[dreg:$0x13] =	wrdreg s9  }
0x23: {  	s23 =	simm.s32 $0x0;
	s0 =	sadd.s32 s0, s11;
	[dreg:$0x18] =	wrdreg s21  }
0x24: {  	s22 =	sshrl.u32 s19, $0x3;
	[dreg:$0x1a] =	wrdreg s24;
	s9 =	simm.s32 $0x300  }
0x25: {  	s24 =	simm.s32 $0x5400;
	[dreg:$0x12] =	wrdreg s0;
	s0 =	sshrl.u32 s10, $0x3  }
.Ltmp0:
0x26: {  	s25 =	sadd.s32 s22, s11;
	s0 =	sadd.s32 s0, s11;
	(pc) =	sbr.rel .LBB2_1-.Ltmp0, $4  }
0x27: {  	s22 =	simm.s32 $0xD;
	[dreg:$0x14] =	wrdreg s0;
	s0 =	sadd.s32 s15, s11  }
0x28: {  	s10 =	simm.s32 $0x7C00;
	[dreg:$0x15] =	wrdreg s0;
	s0 =	sshrl.u32 s18, $0x3  }
0x29: {  	s15 =	simm.s32 $0x2;
	s18 =	simm.s32 $0xC;
	s0 =	sadd.s32 s0, s11  }
0x2a: {  	s11 =	simm.s32 $0x380;
	[dreg:$0x17] =	wrdreg s0;
	s0 =	simm.s32 $0xB  }
.LBB2_4:
0x2b: {  	_ =	swait.ge [sflag:s5], $0x2800  }
0x2c: {  	[sflag:s5] =	ssyncset.done $0x0  }
0x2d: {  	[sflag:s5] =	ssyncadd.s32 $0xFFFFD800  }
0x2e: {  	[spmem:s3] =	stream.indirect.scatter.add.f32 [tilespmem:s10], [sflag:$0xC], $0x80, s11, s13, $0xb8;
	[tilespmem:$0x1DC80] =	vst v63  }
0x2f: {  	_ =	swait.ge [sflag:s18], $0x2800  }
0x30: {  	[sflag:s18] =	ssyncset.done $0x0  }
0x31: {  	[sflag:s18] =	ssyncadd.s32 $0xFFFFD800  }
0x32: {  	_ =	swait.ge [sflag:s26], $0x2800  }
0x33: {  	[sflag:s26] =	ssyncset.done $0x0  }
0x34: {  	[sflag:s26] =	ssyncadd.s32 $0xFFFFD800  }
0x35: {  	[spmem:s3] =	stream.indirect.scatter.add.f32 [tilespmem:s14], [sflag:$0x9], $0x80, s31, s13, $0xb8;
	[tilespmem:$0x1DC80] =	vst v63  }
0x36: {  	_ =	swait.ge [sflag:s28], $0x2800  }
0x37: {  	[sflag:s28] =	ssyncset.done $0x0  }
0x38: {  	[sflag:s28] =	ssyncadd.s32 $0xFFFFD800  }
0x39: {  	[bflag:$0x0] =	sbarrier.arrive $0xFFFF  }
0x3a: {  	s20 =	rddreg [dreg:$0x7]  }
0x3b: {  	s19 =	rddreg [dreg:$0xf]  }
0x3c: {  	s22 =	simm.s32 $0xD;
	s21 =	rddreg [dreg:$0x1d]  }
0x3d: {  	[hbm:s19], [sflag:s20] =	dma.local [spmem:s21], $0x2700  }
0x3e: {  	_ =	swait.ge [sflag:s22], $0x2700  }
0x3f: {  	[sflag:s22] =	ssyncset.done $0x0;
	s19 =	rddreg [dreg:$0x10]  }
0x40: {  	s21 =	rddreg [dreg:$0x1e];
	[sflag:s22] =	ssyncadd.s32 $0xFFFFD900  }
0x41: {  	[hbm:s19], [sflag:s20] =	dma.local @!p0 [spmem:s21], $0x100  }
0x42: {  	s19 =	simm.s32 @!p0 $0xD  }
0x43: {  	_ =	swait.ge @!p0 [sflag:s19], $0x100  }
0x44: {  	s23 =	rddreg [dreg:$0x1c]  }
0x45: {  	s21 =	rddreg [dreg:$0x11];
	s23 =	sadd.s32 $0x1, s23  }
0x46: {  	p1 =	sne.s32 s23, s21  }
.Ltmp1:
0x47: {  	_ = 	snop;
	(pc) =	sbr.rel @!p1 .LBB2_5-.Ltmp1, $3  }
0x48: {  	_ =	sdelay $0x1  }
0x49: {  	[sflag:s19] =	ssyncset.done @!p0 $0x0  }
0x4a: {  	[sflag:s19] =	ssyncadd.s32 @!p0 $0xFFFFFF00  }
.LBB2_1:
0x4b: {  	[dreg:$0x1c] =	wrdreg s23  }
0x4c: {  	s19 =	rddreg [dreg:$0x5]  }
0x4d: {  	s23 =	rddreg [dreg:$0x6];
	s21 =	sshrl.u32 s19, $0x3  }
0x4e: {  	[dreg:$0x1d] =	wrdreg s21  }
0x4f: {  	[spmem:s21], [sflag:s20] =	dma.local [hbm:s23], $0x2700  }
0x50: {  	_ =	swait.ge [sflag:s22], $0x2700  }
0x51: {  	s19 =	rddreg [dreg:$0x8]  }
0x52: {  	[sflag:s22] =	ssyncset.done $0x0;
	s21 =	sshrl.u32 @!p0 s19, $0x3;
	s19 =	rddreg [dreg:$0x9]  }
0x53: {  	[sflag:s22] =	ssyncadd.s32 $0xFFFFD900;
	[dreg:$0x1e] =	wrdreg s21  }
0x54: {  	[spmem:s21], [sflag:s20] =	dma.local @!p0 [hbm:s19], $0x100  }
0x55: {  	s19 =	simm.s32 @!p0 $0xD  }
0x56: {  	_ =	swait.ge @!p0 [sflag:s19], $0x100  }
0x57: {  	[sflag:s19] =	ssyncset.done @!p0 $0x0  }
0x58: {  	[sflag:s19] =	ssyncadd.s32 @!p0 $0xFFFFFF00  }
0x59: {  	[bflag:$0x0] =	sbarrier.arrive $0xFFFF  }
0x5a: {  	s21 =	rddreg [dreg:$0xa]  }
0x5b: {  	[tilespmem:s4], [sflag:$0x1] =	stream.linear.gather [hbm4b:s21+s4], $0x50, $0x38;
	[tilespmem:$0x1DC80] =	vst v63  }
0x5c: {  	s22 =	rddreg [dreg:$0xb]  }
0x5d: {  	[tilespmem:s31], [sflag:$0x1] =	stream.linear.gather [hbm4b:s22+s4], $0x50, $0x38;
	[tilespmem:$0x1DC80] =	vst v63  }
0x5e: {  	s20 =	simm.s32 $0x100;
	s23 =	rddreg [dreg:$0xc]  }
0x5f: {  	[tilespmem:s20], [sflag:$0x2] =	stream.linear.gather [hbm4b:s23+s4], $0x50, $0x38;
	[tilespmem:$0x1DC80] =	vst v63  }
0x60: {  	s21 =	rddreg [dreg:$0xd];
	s22 =	simm.s32 $0x180  }
0x61: {  	[tilespmem:s22], [sflag:$0x2] =	stream.linear.gather [hbm4b:s21+s4], $0x50, $0x38;
	[tilespmem:$0x1DC80] =	vst v63  }
0x62: {  	s23 =	rddreg [dreg:$0xe]  }
0x63: {  	[tilespmem:s6], [sflag:$0x3] =	stream.linear.gather [hbm4b:s23+s4], $0x50, $0x38;
	[tilespmem:$0x1DC80] =	vst v63  }
0x64: {  	s21 =	rddreg [dreg:$0x19]  }
0x65: {  	[tilespmem:s8], [sflag:$0x3] =	stream.linear.gather [hbm4b:s21+s4], $0x50, $0x38;
	[tilespmem:$0x1DC80] =	vst v63  }
0x66: {  	s22 =	rddreg [dreg:$0x1a]  }
0x67: {  	[tilespmem:s9], [sflag:$0x4] =	stream.linear.gather [hbm4b:s22+s4], $0x50, $0x38;
	[tilespmem:$0x1DC80] =	vst v63  }
0x68: {  	s23 =	rddreg [dreg:$0x1b]  }
0x69: {  	[tilespmem:s11], [sflag:$0x4] =	stream.linear.gather [hbm4b:s23+s4], $0x50, $0x38;
	[tilespmem:$0x1DC80] =	vst v63  }
0x6a: {  	_ =	swait.ge [sflag:s12], $0x50  }
0x6b: {  	[sflag:s12] =	ssyncset.done $0x0  }
0x6c: {  	[sflag:s12] =	ssyncadd.s32 $0xFFFFFFB0  }
0x6d: {  	_ =	swait.ge [sflag:s12], $0x50  }
0x6e: {  	[sflag:s12] =	ssyncset.done $0x0  }
0x6f: {  	[sflag:s12] =	ssyncadd.s32 $0xFFFFFFB0  }
0x70: {  	[tilespmem:s14], [sflag:$0x5] =	stream.indirect.gather [hbm4b:s1+s13], $0x80, s4, s13, $0xb8;
	[tilespmem:$0x1DC80] =	vst v63  }
0x71: {  	_ =	swait.ge [sflag:s15], $0x50  }
0x72: {  	[sflag:s15] =	ssyncset.done $0x0  }
0x73: {  	[sflag:s15] =	ssyncadd.s32 $0xFFFFFFB0  }
0x74: {  	_ =	swait.ge [sflag:s15], $0x50  }
0x75: {  	[sflag:s15] =	ssyncset.done $0x0  }
0x76: {  	[sflag:s15] =	ssyncadd.s32 $0xFFFFFFB0  }
0x77: {  	[tilespmem:s16], [sflag:$0x6] =	stream.indirect.gather [hbm4b:s1+s13], $0x80, s20, s13, $0xb8;
	[tilespmem:$0x1DC80] =	vst v63  }
0x78: {  	s19 =	rddreg [dreg:$0x18];
	s20 =	simm.s32 $0x0  }
.LBB2_2:
0x79: {  	_ =	swait.ge [sflag:s17], $0x50  }
0x7a: {  	[sflag:s17] =	ssyncset.done $0x0  }
0x7b: {  	[sflag:s17] =	ssyncadd.s32 $0xFFFFFFB0  }
0x7c: {  	_ =	swait.ge [sflag:s17], $0x50  }
0x7d: {  	[sflag:s17] =	ssyncset.done $0x0  }
0x7e: {  	[sflag:s17] =	ssyncadd.s32 $0xFFFFFFB0  }
0x7f: {  	[tilespmem:s24], [sflag:$0x7] =	stream.indirect.gather [hbm4b:s1+s13], $0x80, s6, s13, $0xb8;
	[tilespmem:$0x1DC80] =	vst v63  }
0x80: {  	_ =	swait.ge [sflag:s26], $0x2800  }
0x81: {  	[sflag:s26] =	ssyncset.done $0x0  }
0x82: {  	[sflag:s26] =	ssyncadd.s32 $0xFFFFD800  }
0x83: {  	[spmem:s3] =	stream.indirect.scatter.add.f32 [tilespmem:s14], [sflag:$0x9], $0x80, s31, s13, $0xb8;
	[tilespmem:$0x1DC80] =	vst v63  }
0x84: {  	_ =	swait.ge [sflag:s28], $0x2800  }
0x85: {  	[sflag:s28] =	ssyncset.done $0x0  }
0x86: {  	[sflag:s28] =	ssyncadd.s32 $0xFFFFD800  }
0x87: {  	s21 =	sshrl.u32 s19, $0x3;
	s22 =	rddreg [dreg:$0x1]  }
0x88: {  	s21 =	sadd.s32 s22, s21  }
0x89: {  	[tilespmem:s4], [sflag:$0x1] =	stream.linear.gather [hbm4b:s21+s4], $0x50, $0x38;
	[tilespmem:$0x1DC80] =	vst v63  }
0x8a: {  	s22 =	sadd.s32 s20, s25  }
0x8b: {  	[tilespmem:s31], [sflag:$0x1] =	stream.linear.gather [hbm4b:s22+s4], $0x50, $0x38;
	[tilespmem:$0x1DC80] =	vst v63  }
0x8c: {  	_ =	swait.ge [sflag:s29], $0x50  }
0x8d: {  	[sflag:s29] =	ssyncset.done $0x0  }
0x8e: {  	[sflag:s29] =	ssyncadd.s32 $0xFFFFFFB0  }
0x8f: {  	_ =	swait.ge [sflag:s29], $0x50  }
0x90: {  	[sflag:s29] =	ssyncset.done $0x0  }
0x91: {  	[sflag:s29] =	ssyncadd.s32 $0xFFFFFFB0  }
0x92: {  	[tilespmem:s10], [sflag:$0x8] =	stream.indirect.gather [hbm4b:s1+s13], $0x80, s9, s13, $0xb8;
	[tilespmem:$0x1DC80] =	vst v63  }
0x93: {  	_ =	swait.ge [sflag:s30], $0x2800  }
0x94: {  	[sflag:s30] =	ssyncset.done $0x0  }
0x95: {  	s23 =	simm.s32 $0x180;
	[sflag:s30] =	ssyncadd.s32 $0xFFFFD800  }
0x96: {  	[spmem:s3] =	stream.indirect.scatter.add.f32 [tilespmem:s16], [sflag:$0xA], $0x80, s23, s13, $0xb8;
	[tilespmem:$0x1DC80] =	vst v63  }
0x97: {  	p1 =	seq.s32 s20, $0x4B0;
	_ =	swait.ge [sflag:s7], $0x2800  }
0x98: {  	s22 =	simm.s32 @!p1 $0x0;
	[sflag:s7] =	ssyncset.done $0x0;
	s21 =	rddreg [dreg:$0x16]  }
0x99: {  	s23 =	simm.s32 @!p1 $0x100;
	[sflag:s7] =	ssyncadd.s32 $0xFFFFD800;
	s21 =	sadd.s32 @!p1 s20, s21  }
0x9a: {  	[tilespmem:s23], [sflag:$0x2] =	stream.linear.gather @!p1 [hbm4b:s21+s22], $0x50, $0x38;
	[tilespmem:$0x1DC80] =	vst v63  }
0x9b: {  	s21 =	rddreg [dreg:$0x17]  }
0x9c: {  	s23 =	simm.s32 @!p1 $0x180;
	s21 =	sadd.s32 @!p1 s20, s21  }
0x9d: {  	[tilespmem:s23], [sflag:$0x2] =	stream.linear.gather @!p1 [hbm4b:s21+s22], $0x50, $0x38;
	[tilespmem:$0x1DC80] =	vst v63  }
0x9e: {  	_ =	swait.ge [sflag:s12], $0x50  }
0x9f: {  	[sflag:s12] =	ssyncset.done $0x0  }
0xa0: {  	[sflag:s12] =	ssyncadd.s32 $0xFFFFFFB0  }
0xa1: {  	_ =	swait.ge [sflag:s12], $0x50  }
0xa2: {  	[sflag:s12] =	ssyncset.done $0x0  }
0xa3: {  	[sflag:s12] =	ssyncadd.s32 $0xFFFFFFB0  }
0xa4: {  	[tilespmem:s14], [sflag:$0x5] =	stream.indirect.gather [hbm4b:s1+s13], $0x80, s4, s13, $0xb8;
	[tilespmem:$0x1DC80] =	vst v63  }
0xa5: {  	_ =	swait.ge [sflag:s2], $0x2800  }
0xa6: {  	[sflag:s2] =	ssyncset.done $0x0  }
.Ltmp2:
0xa7: {  	[sflag:s2] =	ssyncadd.s32 $0xFFFFD800;
	(pc) =	sbr.rel @p1 .LBB2_4-.Ltmp2, $4  }
0xa8: {  	[spmem:s3] =	stream.indirect.scatter.add.f32 [tilespmem:s24], [sflag:$0xB], $0x80, s8, s13, $0xb8;
	[tilespmem:$0x1DC80] =	vst v63  }
0xa9: {  	_ =	swait.ge [sflag:s0], $0x2800  }
0xaa: {  	[sflag:s0] =	ssyncset.done $0x0  }
0xab: {  	[sflag:s0] =	ssyncadd.s32 $0xFFFFD800  }
0xac: {  	s21 =	rddreg [dreg:$0x14]  }
0xad: {  	s22 =	rddreg [dreg:$0x15];
	s21 =	sadd.s32 s20, s21  }
0xae: {  	[tilespmem:s6], [sflag:$0x3] =	stream.linear.gather [hbm4b:s21+s4], $0x50, $0x38;
	[tilespmem:$0x1DC80] =	vst v63  }
0xaf: {  	s21 =	sadd.s32 s20, s22  }
0xb0: {  	[tilespmem:s8], [sflag:$0x3] =	stream.linear.gather [hbm4b:s21+s4], $0x50, $0x38;
	[tilespmem:$0x1DC80] =	vst v63  }
0xb1: {  	_ =	swait.ge [sflag:s15], $0x50  }
0xb2: {  	[sflag:s15] =	ssyncset.done $0x0  }
0xb3: {  	[sflag:s15] =	ssyncadd.s32 $0xFFFFFFB0  }
0xb4: {  	_ =	swait.ge [sflag:s15], $0x50  }
0xb5: {  	[sflag:s15] =	ssyncset.done $0x0  }
0xb6: {  	s23 =	simm.s32 $0x100;
	[sflag:s15] =	ssyncadd.s32 $0xFFFFFFB0  }
0xb7: {  	[tilespmem:s16], [sflag:$0x6] =	stream.indirect.gather [hbm4b:s1+s13], $0x80, s23, s13, $0xb8;
	[tilespmem:$0x1DC80] =	vst v63  }
0xb8: {  	_ =	swait.ge [sflag:s5], $0x2800  }
0xb9: {  	[sflag:s5] =	ssyncset.done $0x0  }
0xba: {  	[sflag:s5] =	ssyncadd.s32 $0xFFFFD800  }
0xbb: {  	[spmem:s3] =	stream.indirect.scatter.add.f32 [tilespmem:s10], [sflag:$0xC], $0x80, s11, s13, $0xb8;
	[tilespmem:$0x1DC80] =	vst v63  }
0xbc: {  	_ =	swait.ge [sflag:s18], $0x2800  }
.Ltmp3:
0xbd: {  	[sflag:s18] =	ssyncset.done $0x0;
	s22 =	rddreg [dreg:$0x12];
	(pc) =	sbr.rel .LBB2_2-.Ltmp3, $4  }
0xbe: {  	s23 =	rddreg [dreg:$0x13];
	[sflag:s18] =	ssyncadd.s32 $0xFFFFD800;
	s21 =	sadd.s32 s20, s22  }
0xbf: {  	[tilespmem:s9], [sflag:$0x4] =	stream.linear.gather [hbm4b:s21+s4], $0x50, $0x38;
	[tilespmem:$0x1DC80] =	vst v63  }
0xc0: {  	s19 =	sadd.s32 $0x140, s19;
	s21 =	sadd.s32 s20, s23;
	s20 =	sadd.s32 $0x28, s20  }
0xc1: {  	[tilespmem:s11], [sflag:$0x4] =	stream.linear.gather [hbm4b:s21+s4], $0x50, $0x38;
	[tilespmem:$0x1DC80] =	vst v63  }
.LBB2_5:
0xc2: {  	_ =	sfence.sel $0x180000  }
0xc3: {  	[bflag:$0x0] =	sbarrier.arrive $0xFFFF  }
0xc4: {  	_ =	strace $0x90000047  }
0xc5: {  	[bflag:$0x2] =	sbarrier.arrive $0xFFFF  }
0xc6: {  	s0 =	rddreg [dreg:$0x4]  }
0xc7: {  	s0 =	sadd.s32 @!p0 $0x100000, s0  }
0xc8: {  	[sflag:s0] =	ssyncadd.tile.s32 @!p0 $0x1;
	_ =	shalt  }
.Lfunc_end2:
_tile_overlayer_lowered:
.L_overlay_start_2:
0xc9: {  	(tag) =	ssettag $0x2  }
0xca: {  	s0 =	rddreg [dreg:$0x0];
	s2 =	stileid.u32  }
0xcb: {  	s1 =	rddreg [dreg:$0x1];
	p0 =	sne.s32 s2, $0x0  }
0xcc: {  	s3 =	rddreg [dreg:$0x2];
	[bflag:$0x3] =	sbarrier.arrive $0xFFFF;
	s2 =	simm.s32 @!p0 $0x1C0E  }
0xcd: {  	[timem:s3], [sflag:s2] =	dma.local @!p0 [hbm:s0], s1  }
0xce: {  	s0 =	simm.s32 @!p0 $0xE  }
0xcf: {  	_ =	swait.ge @!p0 [sflag:s0], s1  }
0xd0: {  	s1 =	ssub.s32 @!p0 $0x0, s1;
	[sflag:s0] =	ssyncset.done @!p0 $0x0  }
0xd1: {  	[sflag:s0] =	ssyncadd.s32 @!p0 s1  }
0xd2: {  	[bflag:$0x3] =	sbarrier.arrive $0xFFFF  }
0xd3: {  	_ =	shalt  }

</sc_bundles>
